<compile_context>
chip_gen: v7x
topology: tpu7x:2x2x1
jax: 0.10.2.dev20260603
libtpu: 0.0.44.dev20260713+nightly
codegen_flags: <defaults>
</compile_context>

<pallas_src>
import jax
import jax.numpy as jnp
from jax import lax
from jax.experimental import pallas as pl
from jax.experimental.pallas import tpu as pltpu
from jax.experimental.pallas import tpu_sc as plsc

B, S, H = 4, 2048, 768
N = B * S
NW = 32
TPW = N // NW
CHUNK = 64
NCHUNK = TPW // CHUNK
LN_EPS = 1e-12

BLK = 1024
NBLK_B = S // BLK
NBLK = N // BLK


def _sc_body(ids_hbm, word_hbm, annidx_hbm, anntab_hbm,
             wraw_out, ann_out,
             iw0, iw1, w0, w1, ai, abuf, gs0, gs1, ws0, ws1, asem):
    c = lax.axis_index("c")
    s = lax.axis_index("s")
    wid = c * 16 + s
    base = wid * TPW

    def fire_gather(chunk, iw, wbuf, gs):
        t0 = base + chunk * CHUNK
        pltpu.sync_copy(ids_hbm.at[pl.ds(t0, CHUNK)], iw)
        pltpu.async_copy(word_hbm.at[iw], wbuf, gs)

    def wait_gather(iw, wbuf, gs):
        pltpu.make_async_copy(word_hbm.at[iw], wbuf, gs).wait()

    def fire_write(chunk, wbuf, ws):
        t0 = base + chunk * CHUNK
        pltpu.async_copy(wbuf, wraw_out.at[pl.ds(t0, CHUNK), :], ws)

    def wait_write(wbuf, ws):
        pltpu.make_async_copy(wbuf, wraw_out.at[pl.ds(base, CHUNK), :],
                              ws).wait()

    @pl.when(wid == 0)
    def _():
        pltpu.sync_copy(annidx_hbm, ai)
        pltpu.async_copy(anntab_hbm.at[ai], abuf, asem)

    fire_gather(0, iw0, w0, gs0)

    def body(j, _):
        a = 2 * j

        @pl.when(j > 0)
        def _():
            wait_write(w1, ws1)

        fire_gather(a + 1, iw1, w1, gs1)
        wait_gather(iw0, w0, gs0)
        fire_write(a, w0, ws0)
        wait_gather(iw1, w1, gs1)
        wait_write(w0, ws0)

        @pl.when(j < NCHUNK // 2 - 1)
        def _():
            fire_gather(a + 2, iw0, w0, gs0)

        fire_write(a + 1, w1, ws1)
        return 0

    lax.fori_loop(0, NCHUNK // 2, body, 0)
    wait_write(w1, ws1)

    @pl.when(wid == 0)
    def _():
        pltpu.make_async_copy(anntab_hbm.at[ai], abuf, asem).wait()
        pltpu.sync_copy(abuf, ann_out)


def _sc_gather(ids, ann_idx_pad, word_emb, ann_table):
    mesh = plsc.VectorSubcoreMesh(core_axis_name="c", subcore_axis_name="s",
                                  num_cores=2, num_subcores=16)
    fn = pl.kernel(
        _sc_body,
        out_type=[
            jax.ShapeDtypeStruct((N, H), jnp.float32),
            jax.ShapeDtypeStruct((16, H), jnp.float32),
        ],
        mesh=mesh,
        scratch_types=[
            pltpu.VMEM((CHUNK,), jnp.int32),
            pltpu.VMEM((CHUNK,), jnp.int32),
            pltpu.VMEM((CHUNK, H), jnp.float32),
            pltpu.VMEM((CHUNK, H), jnp.float32),
            pltpu.VMEM((16,), jnp.int32),
            pltpu.VMEM((16, H), jnp.float32),
            pltpu.SemaphoreType.DMA,
            pltpu.SemaphoreType.DMA,
            pltpu.SemaphoreType.DMA,
            pltpu.SemaphoreType.DMA,
            pltpu.SemaphoreType.DMA,
        ],
    )
    return fn(ids, word_emb, ann_idx_pad, ann_table)


def _ln(y, g, b):
    mu = jnp.mean(y, axis=1, keepdims=True)
    d = y - mu
    var = jnp.mean(d * d, axis=1, keepdims=True)
    return d * lax.rsqrt(var + LN_EPS) * g + b


def _tc_ln_body(wraw_ref, pos_ref, ttid_ref, tt_ref, g_ref, b_ref,
                sent_ref, emb_ref, part_ref):
    i = pl.program_id(0)
    r = lax.rem(i, B) * NBLK_B + i // B
    tt0 = tt_ref[pl.ds(0, 1), :]
    tt1 = tt_ref[pl.ds(1, 1), :]
    tts = ttid_ref[pl.ds(r, 1), :]
    is1 = (jnp.transpose(tts, (1, 0)) == 1)
    x = wraw_ref[...] + pos_ref[...] + jnp.where(is1, tt1, tt0)
    sent_ref[...] = x
    bsum = jnp.sum(x, axis=0, keepdims=True)
    row0 = (lax.broadcasted_iota(jnp.int32, (8, 1), 0) == 0)
    part_ref[...] = jnp.where(row0, bsum, 0.0)
    emb_ref[...] = _ln(x, g_ref[...], b_ref[...])


def _tc_ln(wraw, pos_emb, tt_ids, tt_emb, gamma, beta):
    return pl.pallas_call(
        _tc_ln_body,
        grid=(NBLK,),
        in_specs=[
            pl.BlockSpec((BLK, H), lambda i: ((i % B) * NBLK_B + i // B, 0)),
            pl.BlockSpec((BLK, H), lambda i: (i // B, 0)),
            pl.BlockSpec((NBLK, BLK), lambda i: (0, 0)),
            pl.BlockSpec((2, H), lambda i: (0, 0)),
            pl.BlockSpec((1, H), lambda i: (0, 0)),
            pl.BlockSpec((1, H), lambda i: (0, 0)),
        ],
        out_specs=[
            pl.BlockSpec((BLK, H), lambda i: ((i % B) * NBLK_B + i // B, 0)),
            pl.BlockSpec((BLK, H), lambda i: ((i % B) * NBLK_B + i // B, 0)),
            pl.BlockSpec((8, H), lambda i: ((i % B) * NBLK_B + i // B, 0)),
        ],
        out_shape=[
            jax.ShapeDtypeStruct((N, H), jnp.float32),
            jax.ShapeDtypeStruct((N, H), jnp.float32),
            jax.ShapeDtypeStruct((NBLK * 8, H), jnp.float32),
        ],
    )(wraw, pos_emb, tt_ids, tt_emb, gamma, beta)


def _tc_patch_body(emb_in_ref, sent_ref, part_ref, ann_ref, sw_ref, aw_ref,
                   g_ref, b_ref, emb_ref, annout_ref, ann_emb_s):
    b = pl.program_id(0)

    @pl.when(b == 0)
    def _():
        p = part_ref[...]
        io = lax.broadcasted_iota(jnp.int32, (8, NBLK * 8), 0)
        ii = lax.broadcasted_iota(jnp.int32, (8, NBLK * 8), 1)
        sel = (ii // (8 * NBLK_B) == io).astype(jnp.float32)
        m = lax.dot_general(sel, p, (((1,), (0,)), ((), ())),
                            precision=lax.Precision.HIGHEST,
                            preferred_element_type=jnp.float32) * (1.0 / S)
        ann = ann_ref[...]
        u = lax.dot_general(m, sw_ref[...], (((1,), (1,)), ((), ())),
                            precision=lax.Precision.HIGHEST,
                            preferred_element_type=jnp.float32)
        v = lax.dot_general(ann, aw_ref[...], (((1,), (1,)), ((), ())),
                            precision=lax.Precision.HIGHEST,
                            preferred_element_type=jnp.float32)
        alpha = jnp.sum(u * v, axis=1, keepdims=True)
        ann_emb = alpha * ann
        ann_emb_s[...] = ann_emb
        annout_ref[...] = lax.slice(ann_emb, (0, 0), (B, H))

    ann_emb_b = ann_emb_s[pl.ds(b, 1), :]
    y0 = _ln(sent_ref[pl.ds(0, 1), :] + ann_emb_b, g_ref[...], b_ref[...])
    row0 = (lax.broadcasted_iota(jnp.int32, (8, 1), 0) == 0)
    emb_ref[...] = jnp.where(row0, y0, emb_in_ref[...])


def _tc_alpha_patch(emb0, sent, partials, ann_rows, sent_W, annotator_W,
                    gamma, beta):
    return pl.pallas_call(
        _tc_patch_body,
        grid=(B,),
        in_specs=[
            pl.BlockSpec((8, H), lambda b: (b * (S // 8), 0)),
            pl.BlockSpec((8, H), lambda b: (b * (S // 8), 0)),
            pl.BlockSpec((NBLK * 8, H), lambda b: (0, 0)),
            pl.BlockSpec((8, H), lambda b: (0, 0)),
            pl.BlockSpec((H, H), lambda b: (0, 0)),
            pl.BlockSpec((H, H), lambda b: (0, 0)),
            pl.BlockSpec((1, H), lambda b: (0, 0)),
            pl.BlockSpec((1, H), lambda b: (0, 0)),
        ],
        out_specs=[
            pl.BlockSpec((8, H), lambda b: (b * (S // 8), 0)),
            pl.BlockSpec((B, H), lambda b: (0, 0)),
        ],
        out_shape=[
            jax.ShapeDtypeStruct((N, H), jnp.float32),
            jax.ShapeDtypeStruct((B, H), jnp.float32),
        ],
        input_output_aliases={0: 0},
        scratch_shapes=[pltpu.VMEM((8, H), jnp.float32)],
    )(emb0, sent, partials, ann_rows, sent_W, annotator_W, gamma, beta)


def kernel(input_ids, token_type_ids, annotator_ids, word_emb, tt_emb,
           pos_emb, sent_W, annotator_W, ann_table, ln_gamma, ln_beta):
    ids = input_ids.reshape(-1).astype(jnp.int32)
    tt_ids = token_type_ids.reshape(NBLK, BLK).astype(jnp.int32)
    ann_idx_pad = jnp.tile(annotator_ids.astype(jnp.int32), 16 // B)

    wraw, ann_rows = _sc_gather(ids, ann_idx_pad, word_emb, ann_table)
    sent, emb0, partials = _tc_ln(wraw, pos_emb, tt_ids, tt_emb,
                                  ln_gamma.reshape(1, H),
                                  ln_beta.reshape(1, H))
    emb, ann_emb = _tc_alpha_patch(emb0, sent, partials, ann_rows, sent_W,
                                   annotator_W, ln_gamma.reshape(1, H),
                                   ln_beta.reshape(1, H))
    return (emb.reshape(B, S, H), ann_emb, sent.reshape(B, S, H))

# --- scband reference (transcript-rebuilt; emitter-appended) ---
"""Pipeline reference for scband-customized-bert-embeddings-89275190214826 (READ-ONLY COPY).

The authoritative reference and input builder live on the scoring server;
editing this copy changes nothing except your own understanding.
"""

import jax, jax.numpy as jnp
import numpy as np

B, S, H = 4, 2048, 768
V, P, T, A = 100000, 2048, 2, 1000
LN_EPS = 1e-12


def setup_inputs(seed: int = 0) -> dict:
    key = jax.random.key(seed)
    ks = jax.random.split(key, 9)
    inp = {}
    inp["input_ids"] = jax.random.randint(ks[0], (B, S), 0, V)
    inp["token_type_ids"] = jax.random.randint(ks[1], (B, S), 0, T)
    inp["annotator_ids"] = jax.random.randint(ks[2], (B,), 0, A)
    inp["word_emb"] = jax.random.normal(ks[3], (V, H), dtype=jnp.float32) * 0.02
    inp["tt_emb"] = jax.random.normal(ks[4], (T, H), dtype=jnp.float32) * 0.02
    inp["pos_emb"] = jax.random.normal(ks[5], (P, H), dtype=jnp.float32) * 0.02
    inp["sent_W"] = jax.random.uniform(ks[6], (H, H), dtype=jnp.float32)
    inp["annotator_W"] = jax.random.uniform(ks[7], (H, H), dtype=jnp.float32)
    inp["ann_table"] = jax.random.normal(ks[8], (A, H), dtype=jnp.float32) * 0.02
    inp["ln_gamma"] = jnp.ones((H,), dtype=jnp.float32)
    inp["ln_beta"] = jnp.zeros((H,), dtype=jnp.float32)
    return inp


def reference(input_ids, token_type_ids, annotator_ids, word_emb, tt_emb, pos_emb,
              sent_W, annotator_W, ann_table, ln_gamma, ln_beta):
    # embedding lookups (gather)
    token_type_embeddings = jnp.take(tt_emb, token_type_ids, axis=0)
    inputs_embeds = jnp.take(word_emb, input_ids, axis=0)
    embeddings = inputs_embeds + token_type_embeddings
    position_embeddings = pos_emb[: input_ids.shape[1]]
    embeddings = embeddings + position_embeddings[None, :, :]
    sentence_embed = embeddings

    # alpha_sent: mean over seq -> [B,1,H] -> transpose -> [B,H,1] -> einsum
    sent_embeds = jnp.mean(embeddings, axis=1, keepdims=True)
    sent_embeds = jnp.transpose(sent_embeds, (0, 2, 1))
    alpha_sent = jnp.einsum('ji,kim->kjm', sent_W, sent_embeds)  # [B,H,1]

    # alpha_annotator
    ann_e = jnp.take(ann_table, annotator_ids, axis=0)  # [B,H]
    antr = jnp.transpose(ann_e[:, None, :], (0, 2, 1))  # [B,H,1]
    alpha_ant = jnp.einsum('ji,kim->kjm', annotator_W, antr)  # [B,H,1]

    # combined alpha
    alpha = jnp.einsum('bxm,bxn->bmn', alpha_sent, alpha_ant)  # [B,1,1]
    alpha = jnp.squeeze(alpha, axis=2)  # [B,1]

    annotator_embed = alpha * ann_e  # [B,H]
    embeddings = embeddings.at[:, 0, :].add(annotator_embed)

    # LayerNorm over last dim (dropout is identity in eval)
    mean = jnp.mean(embeddings, axis=-1, keepdims=True)
    var = jnp.var(embeddings, axis=-1, keepdims=True)
    embeddings = (embeddings - mean) / jnp.sqrt(var + LN_EPS) * ln_gamma + ln_beta

    return (embeddings, annotator_embed, sentence_embed)

if __name__ == "__main__":
    import jax
    _d = setup_inputs()
    print(jax.jit(kernel)(*tuple(_d.values())))

</pallas_src>

<mosaic_0001>
#map = affine_map<(d0, d1) -> (0)>
#map1 = affine_map<(d0, d1) -> (0, 0)>
module attributes {stable_mosaic.version = 14 : i64} {
  func.func @_sc_body(%arg0: i32, %arg1: i32, %arg2: memref<8192xi32, #tpu.memory_space<hbm>>, %arg3: memref<100000x768xf32, #tpu.memory_space<hbm>>, %arg4: memref<16xi32, #tpu.memory_space<hbm>>, %arg5: memref<1000x768xf32, #tpu.memory_space<hbm>>, %arg6: memref<8192x768xf32, #tpu.memory_space<hbm>>, %arg7: memref<16x768xf32, #tpu.memory_space<hbm>>, %arg8: memref<64xi32, #tpu.memory_space<vmem>>, %arg9: memref<64xi32, #tpu.memory_space<vmem>>, %arg10: memref<64x768xf32, #tpu.memory_space<vmem>>, %arg11: memref<64x768xf32, #tpu.memory_space<vmem>>, %arg12: memref<16xi32, #tpu.memory_space<vmem>>, %arg13: memref<16x768xf32, #tpu.memory_space<vmem>>, %arg14: memref<!tpu.dma_semaphore, #tpu.memory_space<semaphore_mem>>, %arg15: memref<!tpu.dma_semaphore, #tpu.memory_space<semaphore_mem>>, %arg16: memref<!tpu.dma_semaphore, #tpu.memory_space<semaphore_mem>>, %arg17: memref<!tpu.dma_semaphore, #tpu.memory_space<semaphore_mem>>, %arg18: memref<!tpu.dma_semaphore, #tpu.memory_space<semaphore_mem>>) attributes {dimension_semantics = [#tpu.dimension_semantics<core_parallel>, #tpu.dimension_semantics<subcore_parallel>], iteration_bounds = array<i64: 2, 16>, scalar_prefetch = 0 : i64, scratch_operands = 11 : i64, tpu.core_type = #tpu.core_type<sc_vector_subcore>, window_params = [{transform_indices = #map}, {transform_indices = #map1}, {transform_indices = #map}, {transform_indices = #map1}, {transform_indices = #map1}, {transform_indices = #map1}]} {
    %mul3A = arith.constant 16 : i32
    %mul3A_0 = arith.muli %arg0, %mul3A : i32
    %add3A = arith.addi %mul3A_0, %arg1 : i32
    %mul3A_1 = arith.constant 256 : i32
    %mul3A_2 = arith.muli %add3A, %mul3A_1 : i32
    %eq3A = arith.constant 0 : i32
    %eq3A_3 = arith.cmpi eq, %add3A, %eq3A : i32
    %convert_element_type3A = arith.extui %eq3A_3 : i1 to i32
    %cond3A = arith.constant 0 : i32
    %cond3A_4 = arith.cmpi ne, %convert_element_type3A, %cond3A : i32
    scf.if %cond3A_4 {
      "tpu.region"() ({
        %run_scoped3A = tpu.sem_alloc : memref<!tpu.dma_semaphore, #tpu.memory_space<semaphore_mem>>
        tpu.enqueue_dma source(%arg4 : memref<16xi32, #tpu.memory_space<hbm>>) target(%arg12 : memref<16xi32, #tpu.memory_space<vmem>>) target_semaphore(%run_scoped3A : memref<!tpu.dma_semaphore, #tpu.memory_space<semaphore_mem>>)
        tpu.wait_dma2 semaphore(%run_scoped3A : memref<!tpu.dma_semaphore, #tpu.memory_space<semaphore_mem>>) src(%arg4 : memref<16xi32, #tpu.memory_space<hbm>>) dst(%arg12 : memref<16xi32, #tpu.memory_space<vmem>>)
        tpu.yield
      }) : () -> ()
      %dma_start3A_23 = arith.constant 0 : i32
      %dma_start3A_24 = arith.constant 0 : i32
      %dma_start3A_25 = tpu.memref_slice %arg5[%dma_start3A_23, %dma_start3A_24] : memref<1000x768xf32, #tpu.memory_space<hbm>> -> memref<1000x768xf32, #tpu.memory_space<hbm>>
      tpu.enqueue_indirect_dma source(%dma_start3A_25 : memref<1000x768xf32, #tpu.memory_space<hbm>>) target(%arg13 : memref<16x768xf32, #tpu.memory_space<vmem>>) offsets(%arg12 : memref<16xi32, #tpu.memory_space<vmem>>) semaphore(%arg18 : memref<!tpu.dma_semaphore, #tpu.memory_space<semaphore_mem>>)
    } else {
    }
    %add3A_5 = arith.constant 0 : i32
    %add3A_6 = arith.addi %mul3A_2, %add3A_5 : i32
    "tpu.region"() ({
      %run_scoped3A = tpu.sem_alloc : memref<!tpu.dma_semaphore, #tpu.memory_space<semaphore_mem>>
      %dma_start3A_23 = tpu.memref_slice %arg2[%add3A_6] : memref<8192xi32, #tpu.memory_space<hbm>> -> memref<64xi32, #tpu.memory_space<hbm>>
      %dma_start3A_24 = tpu.memref_slice %arg2[%add3A_6] : memref<8192xi32, #tpu.memory_space<hbm>> -> memref<64xi32, #tpu.memory_space<hbm>>
      tpu.enqueue_dma source(%dma_start3A_24 : memref<64xi32, #tpu.memory_space<hbm>>) target(%arg8 : memref<64xi32, #tpu.memory_space<vmem>>) target_semaphore(%run_scoped3A : memref<!tpu.dma_semaphore, #tpu.memory_space<semaphore_mem>>)
      %dma_wait3A_25 = tpu.memref_slice %arg2[%add3A_6] : memref<8192xi32, #tpu.memory_space<hbm>> -> memref<64xi32, #tpu.memory_space<hbm>>
      %dma_wait3A_26 = tpu.memref_slice %arg2[%add3A_6] : memref<8192xi32, #tpu.memory_space<hbm>> -> memref<64xi32, #tpu.memory_space<hbm>>
      tpu.wait_dma2 semaphore(%run_scoped3A : memref<!tpu.dma_semaphore, #tpu.memory_space<semaphore_mem>>) src(%dma_wait3A_26 : memref<64xi32, #tpu.memory_space<hbm>>) dst(%arg8 : memref<64xi32, #tpu.memory_space<vmem>>)
      tpu.yield
    }) : () -> ()
    %dma_start3A = arith.constant 0 : i32
    %dma_start3A_7 = arith.constant 0 : i32
    %dma_start3A_8 = tpu.memref_slice %arg3[%dma_start3A, %dma_start3A_7] : memref<100000x768xf32, #tpu.memory_space<hbm>> -> memref<100000x768xf32, #tpu.memory_space<hbm>>
    tpu.enqueue_indirect_dma source(%dma_start3A_8 : memref<100000x768xf32, #tpu.memory_space<hbm>>) target(%arg10 : memref<64x768xf32, #tpu.memory_space<vmem>>) offsets(%arg8 : memref<64xi32, #tpu.memory_space<vmem>>) semaphore(%arg14 : memref<!tpu.dma_semaphore, #tpu.memory_space<semaphore_mem>>)
    %scan3A = arith.constant 0 : i32
    %scan3A_9 = arith.constant 0 : i32
    %scan3A_10 = arith.constant 2 : i32
    %scan3A_11 = arith.addi %scan3A_9, %scan3A_10 : i32
    %scan3A_12 = arith.constant 1 : i32
    %scan3A_13 = scf.for %scan3A_23 = %scan3A_9 to %scan3A_11 step %scan3A_12 iter_args(%scan3A_24 = %scan3A) -> (i32)  : i32 {
      %mul3A_25 = arith.constant 2 : i32
      %mul3A_26 = arith.muli %mul3A_25, %scan3A_23 : i32
      %gt3A = arith.constant 0 : i32
      %gt3A_27 = arith.cmpi sgt, %scan3A_23, %gt3A : i32
      %convert_element_type3A_28 = arith.extui %gt3A_27 : i1 to i32
      %cond3A_29 = arith.constant 0 : i32
      %cond3A_30 = arith.cmpi ne, %convert_element_type3A_28, %cond3A_29 : i32
      scf.if %cond3A_30 {
        %dma_wait3A_70 = arith.constant 0 : i32
        %dma_wait3A_71 = tpu.memref_slice %arg6[%mul3A_2, %dma_wait3A_70] : memref<8192x768xf32, #tpu.memory_space<hbm>> -> memref<64x768xf32, #tpu.memory_space<hbm>>
        %dma_wait3A_72 = arith.constant 0 : i32
        %dma_wait3A_73 = tpu.memref_slice %arg6[%mul3A_2, %dma_wait3A_72] : memref<8192x768xf32, #tpu.memory_space<hbm>> -> memref<64x768xf32, #tpu.memory_space<hbm>>
        tpu.wait_dma2 semaphore(%arg17 : memref<!tpu.dma_semaphore, #tpu.memory_space<semaphore_mem>>) src(%arg11 : memref<64x768xf32, #tpu.memory_space<vmem>>) dst(%dma_wait3A_73 : memref<64x768xf32, #tpu.memory_space<hbm>>)
      } else {
      }
      %add3A_31 = arith.constant 1 : i32
      %add3A_32 = arith.addi %mul3A_26, %add3A_31 : i32
      %mul3A_33 = arith.constant 64 : i32
      %mul3A_34 = arith.muli %add3A_32, %mul3A_33 : i32
      %add3A_35 = arith.addi %mul3A_2, %mul3A_34 : i32
      "tpu.region"() ({
        %run_scoped3A = tpu.sem_alloc : memref<!tpu.dma_semaphore, #tpu.memory_space<semaphore_mem>>
        %dma_start3A_70 = tpu.memref_slice %arg2[%add3A_35] : memref<8192xi32, #tpu.memory_space<hbm>> -> memref<64xi32, #tpu.memory_space<hbm>>
        %dma_start3A_71 = tpu.memref_slice %arg2[%add3A_35] : memref<8192xi32, #tpu.memory_space<hbm>> -> memref<64xi32, #tpu.memory_space<hbm>>
        tpu.enqueue_dma source(%dma_start3A_71 : memref<64xi32, #tpu.memory_space<hbm>>) target(%arg9 : memref<64xi32, #tpu.memory_space<vmem>>) target_semaphore(%run_scoped3A : memref<!tpu.dma_semaphore, #tpu.memory_space<semaphore_mem>>)
        %dma_wait3A_72 = tpu.memref_slice %arg2[%add3A_35] : memref<8192xi32, #tpu.memory_space<hbm>> -> memref<64xi32, #tpu.memory_space<hbm>>
        %dma_wait3A_73 = tpu.memref_slice %arg2[%add3A_35] : memref<8192xi32, #tpu.memory_space<hbm>> -> memref<64xi32, #tpu.memory_space<hbm>>
        tpu.wait_dma2 semaphore(%run_scoped3A : memref<!tpu.dma_semaphore, #tpu.memory_space<semaphore_mem>>) src(%dma_wait3A_73 : memref<64xi32, #tpu.memory_space<hbm>>) dst(%arg9 : memref<64xi32, #tpu.memory_space<vmem>>)
        tpu.yield
      }) : () -> ()
      %dma_start3A_36 = arith.constant 0 : i32
      %dma_start3A_37 = arith.constant 0 : i32
      %dma_start3A_38 = tpu.memref_slice %arg3[%dma_start3A_36, %dma_start3A_37] : memref<100000x768xf32, #tpu.memory_space<hbm>> -> memref<100000x768xf32, #tpu.memory_space<hbm>>
      tpu.enqueue_indirect_dma source(%dma_start3A_38 : memref<100000x768xf32, #tpu.memory_space<hbm>>) target(%arg11 : memref<64x768xf32, #tpu.memory_space<vmem>>) offsets(%arg9 : memref<64xi32, #tpu.memory_space<vmem>>) semaphore(%arg15 : memref<!tpu.dma_semaphore, #tpu.memory_space<semaphore_mem>>)
      %dma_wait3A_39 = arith.constant 0 : i32
      %dma_wait3A_40 = arith.constant 0 : i32
      %dma_wait3A_41 = tpu.memref_slice %arg3[%dma_wait3A_39, %dma_wait3A_40] : memref<100000x768xf32, #tpu.memory_space<hbm>> -> memref<100000x768xf32, #tpu.memory_space<hbm>>
      tpu.wait_indirect_dma semaphore(%arg14 : memref<!tpu.dma_semaphore, #tpu.memory_space<semaphore_mem>>) src(%dma_wait3A_41 : memref<100000x768xf32, #tpu.memory_space<hbm>>) dst(%arg10 : memref<64x768xf32, #tpu.memory_space<vmem>>)
      %mul3A_42 = arith.constant 64 : i32
      %mul3A_43 = arith.muli %mul3A_26, %mul3A_42 : i32
      %add3A_44 = arith.addi %mul3A_2, %mul3A_43 : i32
      %dma_start3A_45 = arith.constant 0 : i32
      %dma_start3A_46 = tpu.memref_slice %arg6[%add3A_44, %dma_start3A_45] : memref<8192x768xf32, #tpu.memory_space<hbm>> -> memref<64x768xf32, #tpu.memory_space<hbm>>
      %dma_start3A_47 = arith.constant 0 : i32
      %dma_start3A_48 = tpu.memref_slice %arg6[%add3A_44, %dma_start3A_47] : memref<8192x768xf32, #tpu.memory_space<hbm>> -> memref<64x768xf32, #tpu.memory_space<hbm>>
      tpu.enqueue_dma source(%arg10 : memref<64x768xf32, #tpu.memory_space<vmem>>) target(%dma_start3A_48 : memref<64x768xf32, #tpu.memory_space<hbm>>) target_semaphore(%arg16 : memref<!tpu.dma_semaphore, #tpu.memory_space<semaphore_mem>>)
      %dma_wait3A_49 = arith.constant 0 : i32
      %dma_wait3A_50 = arith.constant 0 : i32
      %dma_wait3A_51 = tpu.memref_slice %arg3[%dma_wait3A_49, %dma_wait3A_50] : memref<100000x768xf32, #tpu.memory_space<hbm>> -> memref<100000x768xf32, #tpu.memory_space<hbm>>
      tpu.wait_indirect_dma semaphore(%arg15 : memref<!tpu.dma_semaphore, #tpu.memory_space<semaphore_mem>>) src(%dma_wait3A_51 : memref<100000x768xf32, #tpu.memory_space<hbm>>) dst(%arg11 : memref<64x768xf32, #tpu.memory_space<vmem>>)
      %dma_wait3A_52 = arith.constant 0 : i32
      %dma_wait3A_53 = tpu.memref_slice %arg6[%mul3A_2, %dma_wait3A_52] : memref<8192x768xf32, #tpu.memory_space<hbm>> -> memref<64x768xf32, #tpu.memory_space<hbm>>
      %dma_wait3A_54 = arith.constant 0 : i32
      %dma_wait3A_55 = tpu.memref_slice %arg6[%mul3A_2, %dma_wait3A_54] : memref<8192x768xf32, #tpu.memory_space<hbm>> -> memref<64x768xf32, #tpu.memory_space<hbm>>
      tpu.wait_dma2 semaphore(%arg16 : memref<!tpu.dma_semaphore, #tpu.memory_space<semaphore_mem>>) src(%arg10 : memref<64x768xf32, #tpu.memory_space<vmem>>) dst(%dma_wait3A_55 : memref<64x768xf32, #tpu.memory_space<hbm>>)
      %lt3A = arith.constant 1 : i32
      %lt3A_56 = arith.cmpi slt, %scan3A_23, %lt3A : i32
      %convert_element_type3A_57 = arith.extui %lt3A_56 : i1 to i32
      %cond3A_58 = arith.constant 0 : i32
      %cond3A_59 = arith.cmpi ne, %convert_element_type3A_57, %cond3A_58 : i32
      scf.if %cond3A_59 {
        %add3A_70 = arith.constant 2 : i32
        %add3A_71 = arith.addi %mul3A_26, %add3A_70 : i32
        %mul3A_72 = arith.constant 64 : i32
        %mul3A_73 = arith.muli %add3A_71, %mul3A_72 : i32
        %add3A_74 = arith.addi %mul3A_2, %mul3A_73 : i32
        "tpu.region"() ({
          %run_scoped3A = tpu.sem_alloc : memref<!tpu.dma_semaphore, #tpu.memory_space<semaphore_mem>>
          %dma_start3A_78 = tpu.memref_slice %arg2[%add3A_74] : memref<8192xi32, #tpu.memory_space<hbm>> -> memref<64xi32, #tpu.memory_space<hbm>>
          %dma_start3A_79 = tpu.memref_slice %arg2[%add3A_74] : memref<8192xi32, #tpu.memory_space<hbm>> -> memref<64xi32, #tpu.memory_space<hbm>>
          tpu.enqueue_dma source(%dma_start3A_79 : memref<64xi32, #tpu.memory_space<hbm>>) target(%arg8 : memref<64xi32, #tpu.memory_space<vmem>>) target_semaphore(%run_scoped3A : memref<!tpu.dma_semaphore, #tpu.memory_space<semaphore_mem>>)
          %dma_wait3A_80 = tpu.memref_slice %arg2[%add3A_74] : memref<8192xi32, #tpu.memory_space<hbm>> -> memref<64xi32, #tpu.memory_space<hbm>>
          %dma_wait3A_81 = tpu.memref_slice %arg2[%add3A_74] : memref<8192xi32, #tpu.memory_space<hbm>> -> memref<64xi32, #tpu.memory_space<hbm>>
          tpu.wait_dma2 semaphore(%run_scoped3A : memref<!tpu.dma_semaphore, #tpu.memory_space<semaphore_mem>>) src(%dma_wait3A_81 : memref<64xi32, #tpu.memory_space<hbm>>) dst(%arg8 : memref<64xi32, #tpu.memory_space<vmem>>)
          tpu.yield
        }) : () -> ()
        %dma_start3A_75 = arith.constant 0 : i32
        %dma_start3A_76 = arith.constant 0 : i32
        %dma_start3A_77 = tpu.memref_slice %arg3[%dma_start3A_75, %dma_start3A_76] : memref<100000x768xf32, #tpu.memory_space<hbm>> -> memref<100000x768xf32, #tpu.memory_space<hbm>>
        tpu.enqueue_indirect_dma source(%dma_start3A_77 : memref<100000x768xf32, #tpu.memory_space<hbm>>) target(%arg10 : memref<64x768xf32, #tpu.memory_space<vmem>>) offsets(%arg8 : memref<64xi32, #tpu.memory_space<vmem>>) semaphore(%arg14 : memref<!tpu.dma_semaphore, #tpu.memory_space<semaphore_mem>>)
      } else {
      }
      %add3A_60 = arith.constant 1 : i32
      %add3A_61 = arith.addi %mul3A_26, %add3A_60 : i32
      %mul3A_62 = arith.constant 64 : i32
      %mul3A_63 = arith.muli %add3A_61, %mul3A_62 : i32
      %add3A_64 = arith.addi %mul3A_2, %mul3A_63 : i32
      %dma_start3A_65 = arith.constant 0 : i32
      %dma_start3A_66 = tpu.memref_slice %arg6[%add3A_64, %dma_start3A_65] : memref<8192x768xf32, #tpu.memory_space<hbm>> -> memref<64x768xf32, #tpu.memory_space<hbm>>
      %dma_start3A_67 = arith.constant 0 : i32
      %dma_start3A_68 = tpu.memref_slice %arg6[%add3A_64, %dma_start3A_67] : memref<8192x768xf32, #tpu.memory_space<hbm>> -> memref<64x768xf32, #tpu.memory_space<hbm>>
      tpu.enqueue_dma source(%arg11 : memref<64x768xf32, #tpu.memory_space<vmem>>) target(%dma_start3A_68 : memref<64x768xf32, #tpu.memory_space<hbm>>) target_semaphore(%arg17 : memref<!tpu.dma_semaphore, #tpu.memory_space<semaphore_mem>>)
      %scan3A_69 = arith.constant 0 : i32
      scf.yield %scan3A_69 : i32
    }
    %scan3A_14 = arith.constant 2 : i32
    %dma_wait3A = arith.constant 0 : i32
    %dma_wait3A_15 = tpu.memref_slice %arg6[%mul3A_2, %dma_wait3A] : memref<8192x768xf32, #tpu.memory_space<hbm>> -> memref<64x768xf32, #tpu.memory_space<hbm>>
    %dma_wait3A_16 = arith.constant 0 : i32
    %dma_wait3A_17 = tpu.memref_slice %arg6[%mul3A_2, %dma_wait3A_16] : memref<8192x768xf32, #tpu.memory_space<hbm>> -> memref<64x768xf32, #tpu.memory_space<hbm>>
    tpu.wait_dma2 semaphore(%arg17 : memref<!tpu.dma_semaphore, #tpu.memory_space<semaphore_mem>>) src(%arg11 : memref<64x768xf32, #tpu.memory_space<vmem>>) dst(%dma_wait3A_17 : memref<64x768xf32, #tpu.memory_space<hbm>>)
    %eq3A_18 = arith.constant 0 : i32
    %eq3A_19 = arith.cmpi eq, %add3A, %eq3A_18 : i32
    %convert_element_type3A_20 = arith.extui %eq3A_19 : i1 to i32
    %cond3A_21 = arith.constant 0 : i32
    %cond3A_22 = arith.cmpi ne, %convert_element_type3A_20, %cond3A_21 : i32
    scf.if %cond3A_22 {
      %dma_wait3A_23 = arith.constant 0 : i32
      %dma_wait3A_24 = arith.constant 0 : i32
      %dma_wait3A_25 = tpu.memref_slice %arg5[%dma_wait3A_23, %dma_wait3A_24] : memref<1000x768xf32, #tpu.memory_space<hbm>> -> memref<1000x768xf32, #tpu.memory_space<hbm>>
      tpu.wait_indirect_dma semaphore(%arg18 : memref<!tpu.dma_semaphore, #tpu.memory_space<semaphore_mem>>) src(%dma_wait3A_25 : memref<1000x768xf32, #tpu.memory_space<hbm>>) dst(%arg13 : memref<16x768xf32, #tpu.memory_space<vmem>>)
      "tpu.region"() ({
        %run_scoped3A = tpu.sem_alloc : memref<!tpu.dma_semaphore, #tpu.memory_space<semaphore_mem>>
        tpu.enqueue_dma source(%arg13 : memref<16x768xf32, #tpu.memory_space<vmem>>) target(%arg7 : memref<16x768xf32, #tpu.memory_space<hbm>>) target_semaphore(%run_scoped3A : memref<!tpu.dma_semaphore, #tpu.memory_space<semaphore_mem>>)
        tpu.wait_dma2 semaphore(%run_scoped3A : memref<!tpu.dma_semaphore, #tpu.memory_space<semaphore_mem>>) src(%arg13 : memref<16x768xf32, #tpu.memory_space<vmem>>) dst(%arg7 : memref<16x768xf32, #tpu.memory_space<hbm>>)
        tpu.yield
      }) : () -> ()
    } else {
    }
    return
  }
}

module attributes {stable_mosaic.version = 14 : i64} {
  func.func @_tc_ln_body(%arg0: i32, %arg1: memref<1024x768xf32, #tpu.memory_space<vmem>>, %arg2: memref<1024x768xf32, #tpu.memory_space<vmem>>, %arg3: memref<8x1024xi32, #tpu.memory_space<vmem>>, %arg4: memref<2x768xf32, #tpu.memory_space<vmem>>, %arg5: memref<1x768xf32, #tpu.memory_space<vmem>>, %arg6: memref<1x768xf32, #tpu.memory_space<vmem>>, %arg7: memref<1024x768xf32, #tpu.memory_space<vmem>>, %arg8: memref<1024x768xf32, #tpu.memory_space<vmem>>, %arg9: memref<8x768xf32, #tpu.memory_space<vmem>>) attributes {dimension_semantics = [#tpu.dimension_semantics<arbitrary>], iteration_bounds = array<i64: 8>, scalar_prefetch = 0 : i64, scratch_operands = 0 : i64, tpu.core_type = #tpu.core_type<tc>, window_params = [{transform_indices = @transform_0, window_bounds = array<i64: 1024, 768>}, {transform_indices = @transform_1, window_bounds = array<i64: 1024, 768>}, {pipeline_mode = #tpu.pipeline_mode<synchronous>, transform_indices = @transform_2, window_bounds = array<i64: 8, 1024>}, {pipeline_mode = #tpu.pipeline_mode<synchronous>, transform_indices = @transform_3, window_bounds = array<i64: 2, 768>}, {pipeline_mode = #tpu.pipeline_mode<synchronous>, transform_indices = @transform_4, window_bounds = array<i64: 1, 768>}, {pipeline_mode = #tpu.pipeline_mode<synchronous>, transform_indices = @transform_5, window_bounds = array<i64: 1, 768>}, {transform_indices = @transform_6, window_bounds = array<i64: 1024, 768>}, {transform_indices = @transform_7, window_bounds = array<i64: 1024, 768>}, {transform_indices = @transform_8, window_bounds = array<i64: 8, 768>}]} {
    %rem3A = arith.constant 4 : i32
    %rem3A_0 = arith.remsi %arg0, %rem3A : i32
    %mul3A = arith.constant 2 : i32
    %mul3A_1 = arith.muli %rem3A_0, %mul3A : i32
    %jit3A = arith.constant 4 : i32
    %div3A = arith.divsi %arg0, %jit3A : i32
    %sign3A = arith.constant 0 : i32
    %sign3A_2 = arith.cmpi sgt, %arg0, %sign3A : i32
    %sign3A_3 = arith.extui %sign3A_2 : i1 to i32
    %sign3A_4 = arith.constant 0 : i32
    %sign3A_5 = arith.cmpi slt, %arg0, %sign3A_4 : i32
    %sign3A_6 = arith.extui %sign3A_5 : i1 to i32
    %sign3A_7 = arith.subi %sign3A_3, %sign3A_6 : i32
    %sign3A_8 = arith.constant 0 : i32
    %sign3A_9 = arith.cmpi sgt, %jit3A, %sign3A_8 : i32
    %sign3A_10 = arith.extui %sign3A_9 : i1 to i32
    %sign3A_11 = arith.constant 0 : i32
    %sign3A_12 = arith.cmpi slt, %jit3A, %sign3A_11 : i32
    %sign3A_13 = arith.extui %sign3A_12 : i1 to i32
    %sign3A_14 = arith.subi %sign3A_10, %sign3A_13 : i32
    %ne3A = arith.cmpi ne, %sign3A_7, %sign3A_14 : i32
    %rem3A_15 = arith.remsi %arg0, %jit3A : i32
    %ne3A_16 = arith.constant 0 : i32
    %ne3A_17 = arith.cmpi ne, %rem3A_15, %ne3A_16 : i32
    %and3A = arith.andi %ne3A, %ne3A_17 : i1
    %sub3A = arith.constant 1 : i32
    %sub3A_18 = arith.subi %div3A, %sub3A : i32
    %select_n3A = arith.select %and3A, %sub3A_18, %div3A : i32
    %add3A = arith.addi %mul3A_1, %select_n3A : i32
    %get3A = arith.constant 0 : index
    %get3A_19 = arith.constant 0 : index
    %get3A_20 = vector.load %arg4[%get3A, %get3A_19] : memref<2x768xf32, #tpu.memory_space<vmem>>, vector<1x768xf32>
    %get3A_21 = arith.constant 1 : index
    %get3A_22 = arith.constant 0 : index
    %get3A_23 = vector.load %arg4[%get3A_21, %get3A_22] : memref<2x768xf32, #tpu.memory_space<vmem>>, vector<1x768xf32>
    %get3A_24 = arith.index_cast %add3A : i32 to index
    %get3A_25 = arith.constant 0 : index
    %get3A_26 = vector.load %arg3[%get3A_24, %get3A_25] : memref<8x1024xi32, #tpu.memory_space<vmem>>, vector<1x1024xi32>
    %transpose3A = tpu.transpose %get3A_26, [1, 0] : vector<1x1024xi32> -> vector<1024x1xi32>
    %eq3A = arith.constant 1 : i32
    %eq3A_27 = vector.broadcast %eq3A : i32 to vector<1024x1xi32>
    %eq3A_28 = arith.cmpi eq, %transpose3A, %eq3A_27 : vector<1024x1xi32>
    %get3A_29 = arith.constant 0 : index
    %get3A_30 = arith.constant 0 : index
    %get3A_31 = vector.load %arg1[%get3A_29, %get3A_30] : memref<1024x768xf32, #tpu.memory_space<vmem>>, vector<1024x768xf32>
    %get3A_32 = arith.constant 0 : index
    %get3A_33 = arith.constant 0 : index
    %get3A_34 = vector.load %arg2[%get3A_32, %get3A_33] : memref<1024x768xf32, #tpu.memory_space<vmem>>, vector<1024x768xf32>
    %add3A_35 = arith.addf %get3A_31, %get3A_34 : vector<1024x768xf32>
    %broadcast_in_dim3A = vector.shape_cast %eq3A_28 : vector<1024x1xi1> to vector<1024x1xi1>
    %broadcast_in_dim3A_36 = vector.broadcast %broadcast_in_dim3A : vector<1024x1xi1> to vector<1024x768xi1>
    %broadcast_in_dim3A_37 = vector.shape_cast %get3A_23 : vector<1x768xf32> to vector<1x768xf32>
    %broadcast_in_dim3A_38 = vector.broadcast %broadcast_in_dim3A_37 : vector<1x768xf32> to vector<1024x768xf32>
    %broadcast_in_dim3A_39 = vector.shape_cast %get3A_20 : vector<1x768xf32> to vector<1x768xf32>
    %broadcast_in_dim3A_40 = vector.broadcast %broadcast_in_dim3A_39 : vector<1x768xf32> to vector<1024x768xf32>
    %select_n3A_41 = arith.select %broadcast_in_dim3A_36, %broadcast_in_dim3A_38, %broadcast_in_dim3A_40 : vector<1024x768xi1>, vector<1024x768xf32>
    %add3A_42 = arith.addf %add3A_35, %select_n3A_41 : vector<1024x768xf32>
    %swap3A = arith.constant 0 : index
    %swap3A_43 = arith.constant 0 : index
    %swap3A_44 = vector.load %arg7[%swap3A, %swap3A_43] : memref<1024x768xf32, #tpu.memory_space<vmem>>, vector<1024x768xf32>
    tpu.vector_store %arg7[%swap3A, %swap3A_43], %add3A_42 {strides = array<i32>} : memref<1024x768xf32, #tpu.memory_space<vmem>>, vector<1024x768xf32>,
    %reduce_sum3A = arith.constant dense<0.000000e+00> : vector<768xf32>
    %reduce_sum3A_45 = vector.multi_reduction <add>, %add3A_42, %reduce_sum3A [0] : vector<1024x768xf32> to vector<768xf32>
    %broadcast_in_dim3A_46 = vector.shape_cast %reduce_sum3A_45 : vector<768xf32> to vector<1x768xf32>
    %iota3A = tpu.iota {dimensions = array<i32: 0>} : vector<8x1xi32>
    %eq3A_47 = arith.constant 0 : i32
    %eq3A_48 = vector.broadcast %eq3A_47 : i32 to vector<8x1xi32>
    %eq3A_49 = arith.cmpi eq, %iota3A, %eq3A_48 : vector<8x1xi32>
    %jit3A_50 = arith.constant 0.000000e+00 : f32
    %broadcast_in_dim3A_51 = vector.shape_cast %eq3A_49 : vector<8x1xi1> to vector<8x1xi1>
    %broadcast_in_dim3A_52 = vector.broadcast %broadcast_in_dim3A_51 : vector<8x1xi1> to vector<8x768xi1>
    %broadcast_in_dim3A_53 = vector.shape_cast %broadcast_in_dim3A_46 : vector<1x768xf32> to vector<1x768xf32>
    %broadcast_in_dim3A_54 = vector.broadcast %broadcast_in_dim3A_53 : vector<1x768xf32> to vector<8x768xf32>
    %broadcast_in_dim3A_55 = vector.broadcast %jit3A_50 : f32 to vector<8x768xf32>
    %select_n3A_56 = arith.select %broadcast_in_dim3A_52, %broadcast_in_dim3A_54, %broadcast_in_dim3A_55 : vector<8x768xi1>, vector<8x768xf32>
    %swap3A_57 = arith.constant 0 : index
    %swap3A_58 = arith.constant 0 : index
    %swap3A_59 = vector.load %arg9[%swap3A_57, %swap3A_58] : memref<8x768xf32, #tpu.memory_space<vmem>>, vector<8x768xf32>
    tpu.vector_store %arg9[%swap3A_57, %swap3A_58], %select_n3A_56 {strides = array<i32>} : memref<8x768xf32, #tpu.memory_space<vmem>>, vector<8x768xf32>,
    %get3A_60 = arith.constant 0 : index
    %get3A_61 = arith.constant 0 : index
    %get3A_62 = vector.load %arg5[%get3A_60, %get3A_61] : memref<1x768xf32, #tpu.memory_space<vmem>>, vector<1x768xf32>
    %get3A_63 = arith.constant 0 : index
    %get3A_64 = arith.constant 0 : index
    %get3A_65 = vector.load %arg6[%get3A_63, %get3A_64] : memref<1x768xf32, #tpu.memory_space<vmem>>, vector<1x768xf32>
    %reduce_sum3A_66 = arith.constant dense<0.000000e+00> : vector<1024xf32>
    %reduce_sum3A_67 = vector.multi_reduction <add>, %add3A_42, %reduce_sum3A_66 [1] : vector<1024x768xf32> to vector<1024xf32>
    %broadcast_in_dim3A_68 = vector.shape_cast %reduce_sum3A_67 : vector<1024xf32> to vector<1024x1xf32>
    %div3A_69 = arith.constant 7.680000e+02 : f32
    %div3A_70 = vector.broadcast %div3A_69 : f32 to vector<1024x1xf32>
    %div3A_71 = arith.divf %broadcast_in_dim3A_68, %div3A_70 : vector<1024x1xf32>
    %sub3A_72 = vector.broadcast %div3A_71 : vector<1024x1xf32> to vector<1024x768xf32>
    %sub3A_73 = arith.subf %add3A_42, %sub3A_72 : vector<1024x768xf32>
    %mul3A_74 = arith.mulf %sub3A_73, %sub3A_73 : vector<1024x768xf32>
    %reduce_sum3A_75 = arith.constant dense<0.000000e+00> : vector<1024xf32>
    %reduce_sum3A_76 = vector.multi_reduction <add>, %mul3A_74, %reduce_sum3A_75 [1] : vector<1024x768xf32> to vector<1024xf32>
    %broadcast_in_dim3A_77 = vector.shape_cast %reduce_sum3A_76 : vector<1024xf32> to vector<1024x1xf32>
    %div3A_78 = arith.constant 7.680000e+02 : f32
    %div3A_79 = vector.broadcast %div3A_78 : f32 to vector<1024x1xf32>
    %div3A_80 = arith.divf %broadcast_in_dim3A_77, %div3A_79 : vector<1024x1xf32>
    %add3A_81 = arith.constant 9.99999996E-13 : f32
    %add3A_82 = vector.broadcast %add3A_81 : f32 to vector<1024x1xf32>
    %add3A_83 = arith.addf %div3A_80, %add3A_82 : vector<1024x1xf32>
    %rsqrt3A = math.rsqrt %add3A_83 : vector<1024x1xf32>
    %mul3A_84 = vector.broadcast %rsqrt3A : vector<1024x1xf32> to vector<1024x768xf32>
    %mul3A_85 = arith.mulf %sub3A_73, %mul3A_84 : vector<1024x768xf32>
    %mul3A_86 = vector.broadcast %get3A_62 : vector<1x768xf32> to vector<1024x768xf32>
    %mul3A_87 = arith.mulf %mul3A_85, %mul3A_86 : vector<1024x768xf32>
    %add3A_88 = vector.broadcast %get3A_65 : vector<1x768xf32> to vector<1024x768xf32>
    %add3A_89 = arith.addf %mul3A_87, %add3A_88 : vector<1024x768xf32>
    %swap3A_90 = arith.constant 0 : index
    %swap3A_91 = arith.constant 0 : index
    %swap3A_92 = vector.load %arg8[%swap3A_90, %swap3A_91] : memref<1024x768xf32, #tpu.memory_space<vmem>>, vector<1024x768xf32>
    tpu.vector_store %arg8[%swap3A_90, %swap3A_91], %add3A_89 {strides = array<i32>} : memref<1024x768xf32, #tpu.memory_space<vmem>>, vector<1024x768xf32>,
    return
  }
  func.func @transform_0(%arg0: i32) -> (i32, i32) {
    %jit3A = arith.constant 4 : i32
    %eq3A = arith.constant 0 : i32
    %eq3A_0 = arith.cmpi eq, %jit3A, %eq3A : i32
    %jit3A_1 = arith.constant 1 : i32
    %select_n3A = arith.select %eq3A_0, %jit3A_1, %jit3A : i32
    %rem3A = arith.remsi %arg0, %select_n3A : i32
    %ne3A = arith.constant 0 : i32
    %ne3A_2 = arith.cmpi ne, %rem3A, %ne3A : i32
    %lt3A = arith.constant 0 : i32
    %lt3A_3 = arith.cmpi slt, %rem3A, %lt3A : i32
    %lt3A_4 = arith.constant 0 : i32
    %lt3A_5 = arith.cmpi slt, %select_n3A, %lt3A_4 : i32
    %ne3A_6 = arith.xori %lt3A_3, %lt3A_5 : i1
    %and3A = arith.andi %ne3A_6, %ne3A_2 : i1
    %add3A = arith.addi %rem3A, %select_n3A : i32
    %select_n3A_7 = arith.select %and3A, %add3A, %rem3A : i32
    %mul3A = arith.constant 2 : i32
    %mul3A_8 = arith.muli %select_n3A_7, %mul3A : i32
    %jit3A_9 = arith.constant 4 : i32
    %div3A = arith.divsi %arg0, %jit3A_9 : i32
    %sign3A = arith.constant 0 : i32
    %sign3A_10 = arith.cmpi sgt, %arg0, %sign3A : i32
    %sign3A_11 = arith.extui %sign3A_10 : i1 to i32
    %sign3A_12 = arith.constant 0 : i32
    %sign3A_13 = arith.cmpi slt, %arg0, %sign3A_12 : i32
    %sign3A_14 = arith.extui %sign3A_13 : i1 to i32
    %sign3A_15 = arith.subi %sign3A_11, %sign3A_14 : i32
    %sign3A_16 = arith.constant 0 : i32
    %sign3A_17 = arith.cmpi sgt, %jit3A_9, %sign3A_16 : i32
    %sign3A_18 = arith.extui %sign3A_17 : i1 to i32
    %sign3A_19 = arith.constant 0 : i32
    %sign3A_20 = arith.cmpi slt, %jit3A_9, %sign3A_19 : i32
    %sign3A_21 = arith.extui %sign3A_20 : i1 to i32
    %sign3A_22 = arith.subi %sign3A_18, %sign3A_21 : i32
    %ne3A_23 = arith.cmpi ne, %sign3A_15, %sign3A_22 : i32
    %rem3A_24 = arith.remsi %arg0, %jit3A_9 : i32
    %ne3A_25 = arith.constant 0 : i32
    %ne3A_26 = arith.cmpi ne, %rem3A_24, %ne3A_25 : i32
    %and3A_27 = arith.andi %ne3A_23, %ne3A_26 : i1
    %sub3A = arith.constant 1 : i32
    %sub3A_28 = arith.subi %div3A, %sub3A : i32
    %select_n3A_29 = arith.select %and3A_27, %sub3A_28, %div3A : i32
    %add3A_30 = arith.addi %mul3A_8, %select_n3A_29 : i32
    %c0_i32 = arith.constant 0 : i32
    %c0_i32_31 = arith.constant 0 : i32
    return %add3A_30, %c0_i32 : i32, i32
  }
  func.func @transform_1(%arg0: i32) -> (i32, i32) {
    %jit3A = arith.constant 4 : i32
    %div3A = arith.divsi %arg0, %jit3A : i32
    %sign3A = arith.constant 0 : i32
    %sign3A_0 = arith.cmpi sgt, %arg0, %sign3A : i32
    %sign3A_1 = arith.extui %sign3A_0 : i1 to i32
    %sign3A_2 = arith.constant 0 : i32
    %sign3A_3 = arith.cmpi slt, %arg0, %sign3A_2 : i32
    %sign3A_4 = arith.extui %sign3A_3 : i1 to i32
    %sign3A_5 = arith.subi %sign3A_1, %sign3A_4 : i32
    %sign3A_6 = arith.constant 0 : i32
    %sign3A_7 = arith.cmpi sgt, %jit3A, %sign3A_6 : i32
    %sign3A_8 = arith.extui %sign3A_7 : i1 to i32
    %sign3A_9 = arith.constant 0 : i32
    %sign3A_10 = arith.cmpi slt, %jit3A, %sign3A_9 : i32
    %sign3A_11 = arith.extui %sign3A_10 : i1 to i32
    %sign3A_12 = arith.subi %sign3A_8, %sign3A_11 : i32
    %ne3A = arith.cmpi ne, %sign3A_5, %sign3A_12 : i32
    %rem3A = arith.remsi %arg0, %jit3A : i32
    %ne3A_13 = arith.constant 0 : i32
    %ne3A_14 = arith.cmpi ne, %rem3A, %ne3A_13 : i32
    %and3A = arith.andi %ne3A, %ne3A_14 : i1
    %sub3A = arith.constant 1 : i32
    %sub3A_15 = arith.subi %div3A, %sub3A : i32
    %select_n3A = arith.select %and3A, %sub3A_15, %div3A : i32
    %c0_i32 = arith.constant 0 : i32
    %c0_i32_16 = arith.constant 0 : i32
    return %select_n3A, %c0_i32 : i32, i32
  }
  func.func @transform_2(%arg0: i32) -> (i32, i32) {
    %c0_i32 = arith.constant 0 : i32
    %c0_i32_0 = arith.constant 0 : i32
    %c0_i32_1 = arith.constant 0 : i32
    return %c0_i32, %c0_i32_0 : i32, i32
  }
  func.func @transform_3(%arg0: i32) -> (i32, i32) {
    %c0_i32 = arith.constant 0 : i32
    %c0_i32_0 = arith.constant 0 : i32
    %c0_i32_1 = arith.constant 0 : i32
    return %c0_i32, %c0_i32_0 : i32, i32
  }
  func.func @transform_4(%arg0: i32) -> (i32, i32) {
    %c0_i32 = arith.constant 0 : i32
    %c0_i32_0 = arith.constant 0 : i32
    %c0_i32_1 = arith.constant 0 : i32
    return %c0_i32, %c0_i32_0 : i32, i32
  }
  func.func @transform_5(%arg0: i32) -> (i32, i32) {
    %c0_i32 = arith.constant 0 : i32
    %c0_i32_0 = arith.constant 0 : i32
    %c0_i32_1 = arith.constant 0 : i32
    return %c0_i32, %c0_i32_0 : i32, i32
  }
  func.func @transform_6(%arg0: i32) -> (i32, i32) {
    %jit3A = arith.constant 4 : i32
    %eq3A = arith.constant 0 : i32
    %eq3A_0 = arith.cmpi eq, %jit3A, %eq3A : i32
    %jit3A_1 = arith.constant 1 : i32
    %select_n3A = arith.select %eq3A_0, %jit3A_1, %jit3A : i32
    %rem3A = arith.remsi %arg0, %select_n3A : i32
    %ne3A = arith.constant 0 : i32
    %ne3A_2 = arith.cmpi ne, %rem3A, %ne3A : i32
    %lt3A = arith.constant 0 : i32
    %lt3A_3 = arith.cmpi slt, %rem3A, %lt3A : i32
    %lt3A_4 = arith.constant 0 : i32
    %lt3A_5 = arith.cmpi slt, %select_n3A, %lt3A_4 : i32
    %ne3A_6 = arith.xori %lt3A_3, %lt3A_5 : i1
    %and3A = arith.andi %ne3A_6, %ne3A_2 : i1
    %add3A = arith.addi %rem3A, %select_n3A : i32
    %select_n3A_7 = arith.select %and3A, %add3A, %rem3A : i32
    %mul3A = arith.constant 2 : i32
    %mul3A_8 = arith.muli %select_n3A_7, %mul3A : i32
    %jit3A_9 = arith.constant 4 : i32
    %div3A = arith.divsi %arg0, %jit3A_9 : i32
    %sign3A = arith.constant 0 : i32
    %sign3A_10 = arith.cmpi sgt, %arg0, %sign3A : i32
    %sign3A_11 = arith.extui %sign3A_10 : i1 to i32
    %sign3A_12 = arith.constant 0 : i32
    %sign3A_13 = arith.cmpi slt, %arg0, %sign3A_12 : i32
    %sign3A_14 = arith.extui %sign3A_13 : i1 to i32
    %sign3A_15 = arith.subi %sign3A_11, %sign3A_14 : i32
    %sign3A_16 = arith.constant 0 : i32
    %sign3A_17 = arith.cmpi sgt, %jit3A_9, %sign3A_16 : i32
    %sign3A_18 = arith.extui %sign3A_17 : i1 to i32
    %sign3A_19 = arith.constant 0 : i32
    %sign3A_20 = arith.cmpi slt, %jit3A_9, %sign3A_19 : i32
    %sign3A_21 = arith.extui %sign3A_20 : i1 to i32
    %sign3A_22 = arith.subi %sign3A_18, %sign3A_21 : i32
    %ne3A_23 = arith.cmpi ne, %sign3A_15, %sign3A_22 : i32
    %rem3A_24 = arith.remsi %arg0, %jit3A_9 : i32
    %ne3A_25 = arith.constant 0 : i32
    %ne3A_26 = arith.cmpi ne, %rem3A_24, %ne3A_25 : i32
    %and3A_27 = arith.andi %ne3A_23, %ne3A_26 : i1
    %sub3A = arith.constant 1 : i32
    %sub3A_28 = arith.subi %div3A, %sub3A : i32
    %select_n3A_29 = arith.select %and3A_27, %sub3A_28, %div3A : i32
    %add3A_30 = arith.addi %mul3A_8, %select_n3A_29 : i32
    %c0_i32 = arith.constant 0 : i32
    %c0_i32_31 = arith.constant 0 : i32
    return %add3A_30, %c0_i32 : i32, i32
  }
  func.func @transform_7(%arg0: i32) -> (i32, i32) {
    %jit3A = arith.constant 4 : i32
    %eq3A = arith.constant 0 : i32
    %eq3A_0 = arith.cmpi eq, %jit3A, %eq3A : i32
    %jit3A_1 = arith.constant 1 : i32
    %select_n3A = arith.select %eq3A_0, %jit3A_1, %jit3A : i32
    %rem3A = arith.remsi %arg0, %select_n3A : i32
    %ne3A = arith.constant 0 : i32
    %ne3A_2 = arith.cmpi ne, %rem3A, %ne3A : i32
    %lt3A = arith.constant 0 : i32
    %lt3A_3 = arith.cmpi slt, %rem3A, %lt3A : i32
    %lt3A_4 = arith.constant 0 : i32
    %lt3A_5 = arith.cmpi slt, %select_n3A, %lt3A_4 : i32
    %ne3A_6 = arith.xori %lt3A_3, %lt3A_5 : i1
    %and3A = arith.andi %ne3A_6, %ne3A_2 : i1
    %add3A = arith.addi %rem3A, %select_n3A : i32
    %select_n3A_7 = arith.select %and3A, %add3A, %rem3A : i32
    %mul3A = arith.constant 2 : i32
    %mul3A_8 = arith.muli %select_n3A_7, %mul3A : i32
    %jit3A_9 = arith.constant 4 : i32
    %div3A = arith.divsi %arg0, %jit3A_9 : i32
    %sign3A = arith.constant 0 : i32
    %sign3A_10 = arith.cmpi sgt, %arg0, %sign3A : i32
    %sign3A_11 = arith.extui %sign3A_10 : i1 to i32
    %sign3A_12 = arith.constant 0 : i32
    %sign3A_13 = arith.cmpi slt, %arg0, %sign3A_12 : i32
    %sign3A_14 = arith.extui %sign3A_13 : i1 to i32
    %sign3A_15 = arith.subi %sign3A_11, %sign3A_14 : i32
    %sign3A_16 = arith.constant 0 : i32
    %sign3A_17 = arith.cmpi sgt, %jit3A_9, %sign3A_16 : i32
    %sign3A_18 = arith.extui %sign3A_17 : i1 to i32
    %sign3A_19 = arith.constant 0 : i32
    %sign3A_20 = arith.cmpi slt, %jit3A_9, %sign3A_19 : i32
    %sign3A_21 = arith.extui %sign3A_20 : i1 to i32
    %sign3A_22 = arith.subi %sign3A_18, %sign3A_21 : i32
    %ne3A_23 = arith.cmpi ne, %sign3A_15, %sign3A_22 : i32
    %rem3A_24 = arith.remsi %arg0, %jit3A_9 : i32
    %ne3A_25 = arith.constant 0 : i32
    %ne3A_26 = arith.cmpi ne, %rem3A_24, %ne3A_25 : i32
    %and3A_27 = arith.andi %ne3A_23, %ne3A_26 : i1
    %sub3A = arith.constant 1 : i32
    %sub3A_28 = arith.subi %div3A, %sub3A : i32
    %select_n3A_29 = arith.select %and3A_27, %sub3A_28, %div3A : i32
    %add3A_30 = arith.addi %mul3A_8, %select_n3A_29 : i32
    %c0_i32 = arith.constant 0 : i32
    %c0_i32_31 = arith.constant 0 : i32
    return %add3A_30, %c0_i32 : i32, i32
  }
  func.func @transform_8(%arg0: i32) -> (i32, i32) {
    %jit3A = arith.constant 4 : i32
    %eq3A = arith.constant 0 : i32
    %eq3A_0 = arith.cmpi eq, %jit3A, %eq3A : i32
    %jit3A_1 = arith.constant 1 : i32
    %select_n3A = arith.select %eq3A_0, %jit3A_1, %jit3A : i32
    %rem3A = arith.remsi %arg0, %select_n3A : i32
    %ne3A = arith.constant 0 : i32
    %ne3A_2 = arith.cmpi ne, %rem3A, %ne3A : i32
    %lt3A = arith.constant 0 : i32
    %lt3A_3 = arith.cmpi slt, %rem3A, %lt3A : i32
    %lt3A_4 = arith.constant 0 : i32
    %lt3A_5 = arith.cmpi slt, %select_n3A, %lt3A_4 : i32
    %ne3A_6 = arith.xori %lt3A_3, %lt3A_5 : i1
    %and3A = arith.andi %ne3A_6, %ne3A_2 : i1
    %add3A = arith.addi %rem3A, %select_n3A : i32
    %select_n3A_7 = arith.select %and3A, %add3A, %rem3A : i32
    %mul3A = arith.constant 2 : i32
    %mul3A_8 = arith.muli %select_n3A_7, %mul3A : i32
    %jit3A_9 = arith.constant 4 : i32
    %div3A = arith.divsi %arg0, %jit3A_9 : i32
    %sign3A = arith.constant 0 : i32
    %sign3A_10 = arith.cmpi sgt, %arg0, %sign3A : i32
    %sign3A_11 = arith.extui %sign3A_10 : i1 to i32
    %sign3A_12 = arith.constant 0 : i32
    %sign3A_13 = arith.cmpi slt, %arg0, %sign3A_12 : i32
    %sign3A_14 = arith.extui %sign3A_13 : i1 to i32
    %sign3A_15 = arith.subi %sign3A_11, %sign3A_14 : i32
    %sign3A_16 = arith.constant 0 : i32
    %sign3A_17 = arith.cmpi sgt, %jit3A_9, %sign3A_16 : i32
    %sign3A_18 = arith.extui %sign3A_17 : i1 to i32
    %sign3A_19 = arith.constant 0 : i32
    %sign3A_20 = arith.cmpi slt, %jit3A_9, %sign3A_19 : i32
    %sign3A_21 = arith.extui %sign3A_20 : i1 to i32
    %sign3A_22 = arith.subi %sign3A_18, %sign3A_21 : i32
    %ne3A_23 = arith.cmpi ne, %sign3A_15, %sign3A_22 : i32
    %rem3A_24 = arith.remsi %arg0, %jit3A_9 : i32
    %ne3A_25 = arith.constant 0 : i32
    %ne3A_26 = arith.cmpi ne, %rem3A_24, %ne3A_25 : i32
    %and3A_27 = arith.andi %ne3A_23, %ne3A_26 : i1
    %sub3A = arith.constant 1 : i32
    %sub3A_28 = arith.subi %div3A, %sub3A : i32
    %select_n3A_29 = arith.select %and3A_27, %sub3A_28, %div3A : i32
    %add3A_30 = arith.addi %mul3A_8, %select_n3A_29 : i32
    %c0_i32 = arith.constant 0 : i32
    %c0_i32_31 = arith.constant 0 : i32
    return %add3A_30, %c0_i32 : i32, i32
  }
}

module attributes {stable_mosaic.version = 14 : i64} {
  func.func @_tc_patch_body(%arg0: i32, %arg1: memref<8x768xf32, #tpu.memory_space<vmem>>, %arg2: memref<8x768xf32, #tpu.memory_space<vmem>>, %arg3: memref<64x768xf32, #tpu.memory_space<vmem>>, %arg4: memref<8x768xf32, #tpu.memory_space<vmem>>, %arg5: memref<768x768xf32, #tpu.memory_space<vmem>>, %arg6: memref<768x768xf32, #tpu.memory_space<vmem>>, %arg7: memref<1x768xf32, #tpu.memory_space<vmem>>, %arg8: memref<1x768xf32, #tpu.memory_space<vmem>>, %arg9: memref<8x768xf32, #tpu.memory_space<vmem>>, %arg10: memref<4x768xf32, #tpu.memory_space<vmem>>, %arg11: memref<8x768xf32, #tpu.memory_space<vmem>>) attributes {dimension_semantics = [#tpu.dimension_semantics<arbitrary>], iteration_bounds = array<i64: 4>, scalar_prefetch = 0 : i64, scratch_operands = 1 : i64, tpu.core_type = #tpu.core_type<tc>, window_params = [{transform_indices = @transform_0, window_bounds = array<i64: 8, 768>}, {transform_indices = @transform_1, window_bounds = array<i64: 8, 768>}, {pipeline_mode = #tpu.pipeline_mode<synchronous>, transform_indices = @transform_2, window_bounds = array<i64: 64, 768>}, {transform_indices = @transform_3, window_bounds = array<i64: 8, 768>}, {pipeline_mode = #tpu.pipeline_mode<synchronous>, transform_indices = @transform_4, window_bounds = array<i64: 768, 768>}, {pipeline_mode = #tpu.pipeline_mode<synchronous>, transform_indices = @transform_5, window_bounds = array<i64: 768, 768>}, {pipeline_mode = #tpu.pipeline_mode<synchronous>, transform_indices = @transform_6, window_bounds = array<i64: 1, 768>}, {pipeline_mode = #tpu.pipeline_mode<synchronous>, transform_indices = @transform_7, window_bounds = array<i64: 1, 768>}, {transform_indices = @transform_8, window_bounds = array<i64: 8, 768>}, {pipeline_mode = #tpu.pipeline_mode<synchronous>, transform_indices = @transform_9, window_bounds = array<i64: 4, 768>}]} {
    %eq3A = arith.constant 0 : i32
    %eq3A_0 = arith.cmpi eq, %arg0, %eq3A : i32
    %convert_element_type3A = arith.extui %eq3A_0 : i1 to i32
    %cond3A = arith.constant 0 : i32
    %cond3A_1 = arith.cmpi ne, %convert_element_type3A, %cond3A : i32
    scf.if %cond3A_1 {
      %get3A_42 = arith.constant 0 : index
      %get3A_43 = arith.constant 0 : index
      %get3A_44 = vector.load %arg3[%get3A_42, %get3A_43] : memref<64x768xf32, #tpu.memory_space<vmem>>, vector<64x768xf32>
      %iota3A_45 = tpu.iota {dimensions = array<i32: 0>} : vector<8x64xi32>
      %iota3A_46 = tpu.iota {dimensions = array<i32: 1>} : vector<8x64xi32>
      %jit3A = arith.constant 16 : i32
      %div3A_47 = vector.broadcast %jit3A : i32 to vector<8x64xi32>
      %div3A_48 = arith.divsi %iota3A_46, %div3A_47 : vector<8x64xi32>
      %sign3A = arith.constant 0 : i32
      %sign3A_49 = vector.broadcast %sign3A : i32 to vector<8x64xi32>
      %sign3A_50 = arith.cmpi sgt, %iota3A_46, %sign3A_49 : vector<8x64xi32>
      %sign3A_51 = arith.extui %sign3A_50 : vector<8x64xi1> to vector<8x64xi32>
      %sign3A_52 = arith.constant 0 : i32
      %sign3A_53 = vector.broadcast %sign3A_52 : i32 to vector<8x64xi32>
      %sign3A_54 = arith.cmpi slt, %iota3A_46, %sign3A_53 : vector<8x64xi32>
      %sign3A_55 = arith.extui %sign3A_54 : vector<8x64xi1> to vector<8x64xi32>
      %sign3A_56 = arith.subi %sign3A_51, %sign3A_55 : vector<8x64xi32>
      %sign3A_57 = arith.constant 0 : i32
      %sign3A_58 = arith.cmpi sgt, %jit3A, %sign3A_57 : i32
      %sign3A_59 = arith.extui %sign3A_58 : i1 to i32
      %sign3A_60 = arith.constant 0 : i32
      %sign3A_61 = arith.cmpi slt, %jit3A, %sign3A_60 : i32
      %sign3A_62 = arith.extui %sign3A_61 : i1 to i32
      %sign3A_63 = arith.subi %sign3A_59, %sign3A_62 : i32
      %ne3A = vector.broadcast %sign3A_63 : i32 to vector<8x64xi32>
      %ne3A_64 = arith.cmpi ne, %sign3A_56, %ne3A : vector<8x64xi32>
      %rem3A = vector.broadcast %jit3A : i32 to vector<8x64xi32>
      %rem3A_65 = arith.remsi %iota3A_46, %rem3A : vector<8x64xi32>
      %ne3A_66 = arith.constant 0 : i32
      %ne3A_67 = vector.broadcast %ne3A_66 : i32 to vector<8x64xi32>
      %ne3A_68 = arith.cmpi ne, %rem3A_65, %ne3A_67 : vector<8x64xi32>
      %and3A = arith.andi %ne3A_64, %ne3A_68 : vector<8x64xi1>
      %sub3A_69 = arith.constant 1 : i32
      %sub3A_70 = vector.broadcast %sub3A_69 : i32 to vector<8x64xi32>
      %sub3A_71 = arith.subi %div3A_48, %sub3A_70 : vector<8x64xi32>
      %select_n3A_72 = arith.select %and3A, %sub3A_71, %div3A_48 : vector<8x64xi1>, vector<8x64xi32>
      %eq3A_73 = arith.cmpi eq, %select_n3A_72, %iota3A_45 : vector<8x64xi32>
      %convert_element_type3A_74 = arith.extui %eq3A_73 : vector<8x64xi1> to vector<8x64xi32>
      %convert_element_type3A_75 = arith.sitofp %convert_element_type3A_74 : vector<8x64xi32> to vector<8x64xf32>
      %dot_general3A = arith.constant dense<0.000000e+00> : vector<8x768xf32>
      %dot_general3A_76 = tpu.matmul %convert_element_type3A_75, %get3A_44, %dot_general3A {dimension_numbers = #tpu.dot_dimension_numbers<[1], [0], [0], [1], [0, 0, 1, 1], [], []>, precision = #tpu.contract_precision<fp32>, transpose_lhs_hint = false} : vector<8x64xf32>, vector<64x768xf32>, vector<8x768xf32> -> vector<8x768xf32>
      %mul3A_77 = arith.constant 4.8828125E-4 : f32
      %mul3A_78 = vector.broadcast %mul3A_77 : f32 to vector<8x768xf32>
      %mul3A_79 = arith.mulf %dot_general3A_76, %mul3A_78 : vector<8x768xf32>
      %get3A_80 = arith.constant 0 : index
      %get3A_81 = arith.constant 0 : index
      %get3A_82 = vector.load %arg4[%get3A_80, %get3A_81] : memref<8x768xf32, #tpu.memory_space<vmem>>, vector<8x768xf32>
      %get3A_83 = arith.constant 0 : index
      %get3A_84 = arith.constant 0 : index
      %get3A_85 = vector.load %arg5[%get3A_83, %get3A_84] : memref<768x768xf32, #tpu.memory_space<vmem>>, vector<768x768xf32>
      %dot_general3A_86 = arith.constant dense<0.000000e+00> : vector<8x768xf32>
      %dot_general3A_87 = tpu.matmul %mul3A_79, %get3A_85, %dot_general3A_86 {dimension_numbers = #tpu.dot_dimension_numbers<[1], [1], [0], [0], [0, 0, 1, 0], [], []>, precision = #tpu.contract_precision<fp32>, transpose_lhs_hint = false} : vector<8x768xf32>, vector<768x768xf32>, vector<8x768xf32> -> vector<8x768xf32>
      %get3A_88 = arith.constant 0 : index
      %get3A_89 = arith.constant 0 : index
      %get3A_90 = vector.load %arg6[%get3A_88, %get3A_89] : memref<768x768xf32, #tpu.memory_space<vmem>>, vector<768x768xf32>
      %dot_general3A_91 = arith.constant dense<0.000000e+00> : vector<8x768xf32>
      %dot_general3A_92 = tpu.matmul %get3A_82, %get3A_90, %dot_general3A_91 {dimension_numbers = #tpu.dot_dimension_numbers<[1], [1], [0], [0], [0, 0, 1, 0], [], []>, precision = #tpu.contract_precision<fp32>, transpose_lhs_hint = false} : vector<8x768xf32>, vector<768x768xf32>, vector<8x768xf32> -> vector<8x768xf32>
      %mul3A_93 = arith.mulf %dot_general3A_87, %dot_general3A_92 : vector<8x768xf32>
      %reduce_sum3A_94 = arith.constant dense<0.000000e+00> : vector<8xf32>
      %reduce_sum3A_95 = vector.multi_reduction <add>, %mul3A_93, %reduce_sum3A_94 [1] : vector<8x768xf32> to vector<8xf32>
      %broadcast_in_dim3A_96 = vector.shape_cast %reduce_sum3A_95 : vector<8xf32> to vector<8x1xf32>
      %mul3A_97 = vector.broadcast %broadcast_in_dim3A_96 : vector<8x1xf32> to vector<8x768xf32>
      %mul3A_98 = arith.mulf %mul3A_97, %get3A_82 : vector<8x768xf32>
      %swap3A_99 = arith.constant 0 : index
      %swap3A_100 = arith.constant 0 : index
      %swap3A_101 = vector.load %arg11[%swap3A_99, %swap3A_100] : memref<8x768xf32, #tpu.memory_space<vmem>>, vector<8x768xf32>
      tpu.vector_store %arg11[%swap3A_99, %swap3A_100], %mul3A_98 {strides = array<i32>} : memref<8x768xf32, #tpu.memory_space<vmem>>, vector<8x768xf32>,
      %slice3A = vector.extract_strided_slice %mul3A_98 {offsets = [0, 0], sizes = [4, 768], strides = [1, 1]} : vector<8x768xf32> to vector<4x768xf32>
      %swap3A_102 = arith.constant 0 : index
      %swap3A_103 = arith.constant 0 : index
      %swap3A_104 = vector.load %arg10[%swap3A_102, %swap3A_103] : memref<4x768xf32, #tpu.memory_space<vmem>>, vector<4x768xf32>
      tpu.vector_store %arg10[%swap3A_102, %swap3A_103], %slice3A {strides = array<i32>} : memref<4x768xf32, #tpu.memory_space<vmem>>, vector<4x768xf32>,
    } else {
    }
    %get3A = arith.index_cast %arg0 : i32 to index
    %get3A_2 = arith.constant 0 : index
    %get3A_3 = vector.load %arg11[%get3A, %get3A_2] : memref<8x768xf32, #tpu.memory_space<vmem>>, vector<1x768xf32>
    %get3A_4 = arith.constant 0 : index
    %get3A_5 = arith.constant 0 : index
    %get3A_6 = vector.load %arg2[%get3A_4, %get3A_5] : memref<8x768xf32, #tpu.memory_space<vmem>>, vector<1x768xf32>
    %add3A = arith.addf %get3A_6, %get3A_3 : vector<1x768xf32>
    %get3A_7 = arith.constant 0 : index
    %get3A_8 = arith.constant 0 : index
    %get3A_9 = vector.load %arg7[%get3A_7, %get3A_8] : memref<1x768xf32, #tpu.memory_space<vmem>>, vector<1x768xf32>
    %get3A_10 = arith.constant 0 : index
    %get3A_11 = arith.constant 0 : index
    %get3A_12 = vector.load %arg8[%get3A_10, %get3A_11] : memref<1x768xf32, #tpu.memory_space<vmem>>, vector<1x768xf32>
    %reduce_sum3A = arith.constant dense<0.000000e+00> : vector<1xf32>
    %reduce_sum3A_13 = vector.multi_reduction <add>, %add3A, %reduce_sum3A [1] : vector<1x768xf32> to vector<1xf32>
    %broadcast_in_dim3A = vector.shape_cast %reduce_sum3A_13 : vector<1xf32> to vector<1x1xf32>
    %div3A = arith.constant 7.680000e+02 : f32
    %div3A_14 = vector.broadcast %div3A : f32 to vector<1x1xf32>
    %div3A_15 = arith.divf %broadcast_in_dim3A, %div3A_14 : vector<1x1xf32>
    %sub3A = vector.broadcast %div3A_15 : vector<1x1xf32> to vector<1x768xf32>
    %sub3A_16 = arith.subf %add3A, %sub3A : vector<1x768xf32>
    %mul3A = arith.mulf %sub3A_16, %sub3A_16 : vector<1x768xf32>
    %reduce_sum3A_17 = arith.constant dense<0.000000e+00> : vector<1xf32>
    %reduce_sum3A_18 = vector.multi_reduction <add>, %mul3A, %reduce_sum3A_17 [1] : vector<1x768xf32> to vector<1xf32>
    %broadcast_in_dim3A_19 = vector.shape_cast %reduce_sum3A_18 : vector<1xf32> to vector<1x1xf32>
    %div3A_20 = arith.constant 7.680000e+02 : f32
    %div3A_21 = vector.broadcast %div3A_20 : f32 to vector<1x1xf32>
    %div3A_22 = arith.divf %broadcast_in_dim3A_19, %div3A_21 : vector<1x1xf32>
    %add3A_23 = arith.constant 9.99999996E-13 : f32
    %add3A_24 = vector.broadcast %add3A_23 : f32 to vector<1x1xf32>
    %add3A_25 = arith.addf %div3A_22, %add3A_24 : vector<1x1xf32>
    %rsqrt3A = math.rsqrt %add3A_25 : vector<1x1xf32>
    %mul3A_26 = vector.broadcast %rsqrt3A : vector<1x1xf32> to vector<1x768xf32>
    %mul3A_27 = arith.mulf %sub3A_16, %mul3A_26 : vector<1x768xf32>
    %mul3A_28 = arith.mulf %mul3A_27, %get3A_9 : vector<1x768xf32>
    %add3A_29 = arith.addf %mul3A_28, %get3A_12 : vector<1x768xf32>
    %iota3A = tpu.iota {dimensions = array<i32: 0>} : vector<8x1xi32>
    %eq3A_30 = arith.constant 0 : i32
    %eq3A_31 = vector.broadcast %eq3A_30 : i32 to vector<8x1xi32>
    %eq3A_32 = arith.cmpi eq, %iota3A, %eq3A_31 : vector<8x1xi32>
    %get3A_33 = arith.constant 0 : index
    %get3A_34 = arith.constant 0 : index
    %get3A_35 = vector.load %arg1[%get3A_33, %get3A_34] : memref<8x768xf32, #tpu.memory_space<vmem>>, vector<8x768xf32>
    %broadcast_in_dim3A_36 = vector.shape_cast %eq3A_32 : vector<8x1xi1> to vector<8x1xi1>
    %broadcast_in_dim3A_37 = vector.broadcast %broadcast_in_dim3A_36 : vector<8x1xi1> to vector<8x768xi1>
    %broadcast_in_dim3A_38 = vector.shape_cast %add3A_29 : vector<1x768xf32> to vector<1x768xf32>
    %broadcast_in_dim3A_39 = vector.broadcast %broadcast_in_dim3A_38 : vector<1x768xf32> to vector<8x768xf32>
    %select_n3A = arith.select %broadcast_in_dim3A_37, %broadcast_in_dim3A_39, %get3A_35 : vector<8x768xi1>, vector<8x768xf32>
    %swap3A = arith.constant 0 : index
    %swap3A_40 = arith.constant 0 : index
    %swap3A_41 = vector.load %arg9[%swap3A, %swap3A_40] : memref<8x768xf32, #tpu.memory_space<vmem>>, vector<8x768xf32>
    tpu.vector_store %arg9[%swap3A, %swap3A_40], %select_n3A {strides = array<i32>} : memref<8x768xf32, #tpu.memory_space<vmem>>, vector<8x768xf32>,
    return
  }
  func.func @transform_0(%arg0: i32) -> (i32, i32) {
    %mul3A = arith.constant 256 : i32
    %mul3A_0 = arith.muli %arg0, %mul3A : i32
    %c0_i32 = arith.constant 0 : i32
    %c0_i32_1 = arith.constant 0 : i32
    return %mul3A_0, %c0_i32 : i32, i32
  }
  func.func @transform_1(%arg0: i32) -> (i32, i32) {
    %mul3A = arith.constant 256 : i32
    %mul3A_0 = arith.muli %arg0, %mul3A : i32
    %c0_i32 = arith.constant 0 : i32
    %c0_i32_1 = arith.constant 0 : i32
    return %mul3A_0, %c0_i32 : i32, i32
  }
  func.func @transform_2(%arg0: i32) -> (i32, i32) {
    %c0_i32 = arith.constant 0 : i32
    %c0_i32_0 = arith.constant 0 : i32
    %c0_i32_1 = arith.constant 0 : i32
    return %c0_i32, %c0_i32_0 : i32, i32
  }
  func.func @transform_3(%arg0: i32) -> (i32, i32) {
    %c0_i32 = arith.constant 0 : i32
    %c0_i32_0 = arith.constant 0 : i32
    %c0_i32_1 = arith.constant 0 : i32
    return %c0_i32, %c0_i32_0 : i32, i32
  }
  func.func @transform_4(%arg0: i32) -> (i32, i32) {
    %c0_i32 = arith.constant 0 : i32
    %c0_i32_0 = arith.constant 0 : i32
    %c0_i32_1 = arith.constant 0 : i32
    return %c0_i32, %c0_i32_0 : i32, i32
  }
  func.func @transform_5(%arg0: i32) -> (i32, i32) {
    %c0_i32 = arith.constant 0 : i32
    %c0_i32_0 = arith.constant 0 : i32
    %c0_i32_1 = arith.constant 0 : i32
    return %c0_i32, %c0_i32_0 : i32, i32
  }
  func.func @transform_6(%arg0: i32) -> (i32, i32) {
    %c0_i32 = arith.constant 0 : i32
    %c0_i32_0 = arith.constant 0 : i32
    %c0_i32_1 = arith.constant 0 : i32
    return %c0_i32, %c0_i32_0 : i32, i32
  }
  func.func @transform_7(%arg0: i32) -> (i32, i32) {
    %c0_i32 = arith.constant 0 : i32
    %c0_i32_0 = arith.constant 0 : i32
    %c0_i32_1 = arith.constant 0 : i32
    return %c0_i32, %c0_i32_0 : i32, i32
  }
  func.func @transform_8(%arg0: i32) -> (i32, i32) {
    %mul3A = arith.constant 256 : i32
    %mul3A_0 = arith.muli %arg0, %mul3A : i32
    %c0_i32 = arith.constant 0 : i32
    %c0_i32_1 = arith.constant 0 : i32
    return %mul3A_0, %c0_i32 : i32, i32
  }
  func.func @transform_9(%arg0: i32) -> (i32, i32) {
    %c0_i32 = arith.constant 0 : i32
    %c0_i32_0 = arith.constant 0 : i32
    %c0_i32_1 = arith.constant 0 : i32
    return %c0_i32, %c0_i32_0 : i32, i32
  }
}

</mosaic_0001>

<sc_bundles>
// kernel: kernel.5.cloned.1.call-start
scs
__scs_entry_jumppad:
0x0: {  	(pc) =	sbr.rel $0x88, $3  }
0x1: {  	(tag) =	ssettag $0x0;
	lr =	simm.s32 $0x1  }
0x2: {  	[smem:$0x3F96] =	sst lr;
	_ =	strace $0xD0000000  }
0x3: {  	_ = 	snop  }
0x4: {  	_ = 	snop  }
0x5: {  	_ = 	snop  }
0x6: {  	_ = 	snop  }
0x7: {  	_ = 	snop  }
__scs_overlays_trampoline_lowered:
0x8: {  	[smem:$0x3FA5] =	sst s0  }
0x9: {  	[smem:$0x3FA6] =	sst s1  }
0xa: {  	[smem:$0x3FA7] =	sst s2  }
0xb: {  	[smem:$0x3FA8] =	sst s3  }
0xc: {  	[smem:$0x3FA9] =	sst s4  }
0xd: {  	[smem:$0x3FAA] =	sst s5  }
0xe: {  	[smem:$0x3FAB] =	sst s6  }
0xf: {  	[smem:$0x3FAC] =	sst s7  }
0x10: {  	[smem:$0x3FAD] =	sst s8  }
0x11: {  	[smem:$0x3FAE] =	sst s9;
	s0 =	simm.s32 @!p0 $0x0  }
0x12: {  	s1 =	sld [smem:$0x3F94];
	s0 =	simm.s32 @p0 $0x1  }
0x13: {  	[smem:$0x3FAF] =	sst s0;
	s0 =	simm.s32 @!p1 $0x0  }
0x14: {  	s2 =	sld [smem:$0x3F93];
	s0 =	simm.s32 @p1 $0x1  }
0x15: {  	[smem:$0x3FB0] =	sst s0;
	s0 =	simm.s32 @!p2 $0x0  }
0x16: {  	s3 =	sld [smem:$0x3FDB];
	s0 =	simm.s32 @p2 $0x1  }
0x17: {  	s4 =	simm.s32 $0x1BF5;
	[smem:$0x3FB2] =	sst s0  }
0x18: {  	s0 =	sld [smem:$0x3F95];
	_ =	swait.ge [sflag:s4], $0x0  }
0x19: {  	s7 =	sld [smem:$0x3F96]  }
0x1a: {  	s8 =	sadd.s32 $0xFFFFE003, lr  }
0x1b: {  	s9 =	sadd.s32 $0xFFFFFEF7, lr;
	s5 =	simm.s32 $0xFFFFFFFF;
	p2 =	slt.u32 s8, $0xFFFFF086  }
0x1c: {  	p1 =	slt.u32 s9, $0xF7A;
	s5 =	simm.s32 @!p2 $0x0  }
0x1d: {  	s5 =	simm.s32 @p1 $0x1;
	p0 =	seq.s32 s7, s2  }
0x1e: {  	s7 =	smul.u32 @!p0 $0xF7A, s2;
	p2 =	seq.s32 @!p0 s5, $0x0  }
0x1f: {  	s9 =	smul.u32 $0xF7A, s1;
	s8 =	simm.s32 @!p0 $0x1BF5;
	p2 =	por !p2, p0  }
0x20: {  	[sflag:s8] =	ssyncset.s32 @!p0 $0xFFFFF086;
	s6 =	sadd.s32 @!p0 s3, s7;
	s7 =	simm.s32 @!p0 $0x108  }
0x21: {  	s3 =	sadd.s32 s3, s9;
	s6 =	sadd.s32 @!p0 $0x88, s6;
	s7 =	simm.s32 @p2 $0x1082  }
0x22: {  	[simem:s7], [sflag:s8] =	dma.local @!p0 [hbm:s6], $0xF7A  }
0x23: {  	s9 =	sor.u32 $0xD0000000, s2;
	s6 =	simm.s32 $0x108;
	_ =	swait.ge @!p0 [sflag:s8], $0x0  }
0x24: {  	s3 =	sadd.s32 $0x88, s3;
	s6 =	simm.s32 @!p1 $0x1082;
	[sflag:s4] =	ssyncset.s32 $0xFFFFF086  }
0x25: {  	[simem:s6], [sflag:s4] =	dma.local [hbm:s3], $0xF7A  }
0x26: {  	[smem:$0x3F96] =	sst s1;
	(tag) =	ssettag s2;
	_ =	strace s9  }
0x27: {  	s1 =	sld [smem:$0x3FA6]  }
0x28: {  	s2 =	sld [smem:$0x3FA7]  }
0x29: {  	s4 =	sld [smem:$0x3FA9]  }
0x2a: {  	p0 =	seq.s32 s5, $0x0;
	s5 =	sld [smem:$0x3FAA]  }
0x2b: {  	s6 =	sld [smem:$0x3FAB]  }
0x2c: {  	s7 =	sld [smem:$0x3FAC]  }
0x2d: {  	s3 =	simm.s32 $0x108;
	s8 =	sld [smem:$0x3FAD]  }
0x2e: {  	s3 =	simm.s32 @!p0 $0x1082;
	s9 =	sld [smem:$0x3FAE]  }
0x2f: {  	lr =	sadd.s32 s0, s3;
	s0 =	sld [smem:$0x3FA5]  }
0x30: {  	s3 =	sld [smem:$0x3FA8]  }
0x31: {  	[smem:$0x3FB1] =	sst s10  }
0x32: {  	s10 =	sld [smem:$0x3FAF];
	_ =	sdelay $0x3  }
0x33: {  	p0 =	seq.s32 s10, $0x1;
	s10 =	sld [smem:$0x3FB1];
	_ =	sdelay $0x3  }
0x34: {  	[smem:$0x3FB1] =	sst s10  }
0x35: {  	s10 =	sld [smem:$0x3FB0];
	_ =	sdelay $0x3  }
0x36: {  	p1 =	seq.s32 s10, $0x1;
	s10 =	sld [smem:$0x3FB1];
	_ =	sdelay $0x3  }
0x37: {  	[smem:$0x3FB1] =	sst s10  }
0x38: {  	s10 =	sld [smem:$0x3FB2]  }
0x39: {  	_ = 	snop;
	(pc) =	sbr.ind lr, $3  }
0x3a: {  	_ = 	snop  }
0x3b: {  	_ = 	snop  }
0x3c: {  	p2 =	seq.s32 s10, $0x1;
	s10 =	sld [smem:$0x3FB1]  }
0x3d: {  	_ =	shalt  }
0x3e: {  	_ =	shalt  }
0x3f: {  	_ =	shalt  }
0x40: {  	_ =	shalt  }
0x41: {  	_ =	shalt  }
0x42: {  	_ =	shalt  }
0x43: {  	_ =	shalt  }
0x44: {  	_ =	shalt  }
0x45: {  	_ =	shalt  }
0x46: {  	_ =	shalt  }
0x47: {  	_ =	shalt  }
0x48: {  	_ =	shalt  }
0x49: {  	_ =	shalt  }
0x4a: {  	_ =	shalt  }
0x4b: {  	_ =	shalt  }
0x4c: {  	_ =	shalt  }
0x4d: {  	_ =	shalt  }
0x4e: {  	_ =	shalt  }
0x4f: {  	_ =	shalt  }
0x50: {  	_ =	shalt  }
0x51: {  	_ =	shalt  }
0x52: {  	_ =	shalt  }
0x53: {  	_ =	shalt  }
0x54: {  	_ =	shalt  }
0x55: {  	_ =	shalt  }
0x56: {  	_ =	shalt  }
0x57: {  	_ =	shalt  }
0x58: {  	_ =	shalt  }
0x59: {  	_ =	shalt  }
0x5a: {  	_ =	shalt  }
0x5b: {  	_ =	shalt  }
0x5c: {  	_ =	shalt  }
0x5d: {  	_ =	shalt  }
0x5e: {  	_ =	shalt  }
0x5f: {  	_ =	shalt  }
0x60: {  	_ =	shalt  }
0x61: {  	_ =	shalt  }
0x62: {  	_ =	shalt  }
0x63: {  	_ =	shalt  }
0x64: {  	_ =	shalt  }
0x65: {  	_ =	shalt  }
0x66: {  	_ =	shalt  }
0x67: {  	_ =	shalt  }
0x68: {  	_ =	shalt  }
0x69: {  	_ =	shalt  }
0x6a: {  	_ =	shalt  }
0x6b: {  	_ =	shalt  }
0x6c: {  	_ =	shalt  }
0x6d: {  	_ =	shalt  }
0x6e: {  	_ =	shalt  }
0x6f: {  	_ =	shalt  }
0x70: {  	_ =	shalt  }
0x71: {  	_ =	shalt  }
0x72: {  	_ =	shalt  }
0x73: {  	_ =	shalt  }
0x74: {  	_ =	shalt  }
0x75: {  	_ =	shalt  }
0x76: {  	_ =	shalt  }
0x77: {  	_ =	shalt  }
0x78: {  	_ =	shalt  }
0x79: {  	_ =	shalt  }
0x7a: {  	_ =	shalt  }
0x7b: {  	_ =	shalt  }
0x7c: {  	_ =	shalt  }
0x7d: {  	_ =	shalt  }
0x7e: {  	_ =	shalt  }
0x7f: {  	_ =	shalt  }
0x80: {  	_ =	shalt  }
0x81: {  	_ =	shalt  }
0x82: {  	_ =	shalt  }
0x83: {  	_ =	shalt  }
0x84: {  	_ =	shalt  }
0x85: {  	_ =	shalt  }
0x86: {  	_ =	shalt  }
0x87: {  	_ =	shalt  }
.Lfunc_end0:
.L_simem_size_0:
called_computation_lowered:
.L_overlay_start_0:
0x88: {  	s2 =	sld [smem:$0x3FD9]  }
0x89: {  	s3 =	sld [smem:$0x3FFE];
	_ =	sdelay $0x1  }
0x8a: {  	s1 =	srdreg.scid  }
0x8b: {  	s0 =	sand.u32 $0x1, s1  }
0x8c: {  	s14 =	sshll.u32 s0, $0xA;
	s2 =	sadd.s32 s3, s2  }
0x8d: {  	s2 =	sadd.s32 s2, s14  }
0x8e: {  	[smem:$0x3FBD] =	sst s2  }
0x8f: {  	_ = 	snop  }
0x90: {  	s2 =	sld [smem:$0x3FD0];
	_ =	sdelay $0x1  }
0x91: {  	s15 =	sld [smem:$0x3FC6]  }
0x92: {  	s5 =	simm.s32 $0xA;
	s6 =	simm.s32 $0x10;
	s4 =	sld [smem:$0x3FC1]  }
0x93: {  	[smem:s6], [sflag:s5] =	dma.local [hbm:s2], $0x1  }
0x94: {  	_ =	swait.eq [sflag:s5], $0x1  }
0x95: {  	[sflag:s5] =	ssyncset.done $0x0  }
0x96: {  	s16 =	sld [smem:$0x10];
	[sflag:s5] =	ssyncadd.s32 $0xFFFFFFFF  }
0x97: {  	s17 =	sld [smem:$0x11];
	(tm) =	ssettm $0x1  }
0x98: {  	s18 =	sld [smem:$0x3FFB];
	_ =	sdelay $0x3  }
0x99: {  	_ =	strace s18  }
0x9a: {  	s6 =	sld [smem:$0x3FFC];
	_ =	sdelay $0x3  }
0x9b: {  	_ =	strace s6  }
0x9c: {  	s6 =	sld [smem:$0x3FFD];
	_ =	sdelay $0x3  }
0x9d: {  	_ =	strace s6  }
0x9e: {  	_ =	strace $0x8FFFFFFF  }
0x9f: {  	s19 =	sld [smem:$0x3FDB];
	_ =	sdelay $0x1  }
0xa0: {  	s7 =	simm.s32 $_scs_section_size  }
0xa1: {  	s8 =	simm.s32 $_size__tile_overlayer_lowered;
	s9 =	simm.s32 $_tile_overlayer_lowered  }
0xa2: {  	s22 =	simm.s32 $0x1BFF;
	s21 =	sshll.u32 s9, $0x1;
	s6 =	sadd.s32 s7, s19  }
0xa3: {  	s10 =	simm.s32 $0x0;
	s20 =	sshll.u32 s8, $0x1;
	s8 =	sadd.s32 s21, s6  }
0xa4: {  	[timem:s10], [sflag:s22] =	dma.local [hbm:s8], s20  }
0xa5: {  	_ =	swait.ge [sflag:s22], s20  }
0xa6: {  	s7 =	ssub.s32 $0x0, s20;
	[sflag:s22] =	ssyncset.done $0x0  }
0xa7: {  	[sflag:s22] =	ssyncadd.s32 s7;
	_ =	sdelay $0x1  }
0xa8: {  	s23 =	simm.s32 $0x1B8B  }
0xa9: {  	_ =	swait.ge [sflag:s23], $0x1  }
0xaa: {  	[sflag:s23] =	ssyncset.done $0x0  }
0xab: {  	s25 =	simm.s32 $0x1B8E;
	s24 =	sld [smem:$0x3FFE];
	[sflag:s23] =	ssyncadd.s32 $0xFFFFFFFF  }
0xac: {  	s26 =	simm.s32 $execute0_lowered;
	[smem:$0x3FD2] =	sst s25  }
0xad: {  	s8 =	sshll.u32 s26, $0x1;
	_ =	strace $0x80000046;
	[dreg:$0x1] =	wrdreg $0xFFFFFFFF  }
0xae: {  	s28 =	simm.s32 $_size_execute0_lowered;
	s6 =	sadd.s32 s6, s8;
	[dreg:$0x0] =	wrdreg $0x0  }
0xaf: {  	s8 =	sshll.u32 s28, $0x1;
	[dreg:$0x2] =	wrdreg s6  }
0xb0: {  	[dreg:$0x3] =	wrdreg s8  }
0xb1: {  	[dreg:$0x4] =	wrdreg $0xC0  }
0xb2: {  	_ =	task [dreg:s10], $0x5FFFF  }
0xb3: {  	[dreg:$0x1] =	wrdreg $0xFFFFFFFF  }
0xb4: {  	[dreg:$0x0] =	wrdreg $0x60  }
0xb5: {  	[dreg:$0x2] =	wrdreg s16  }
0xb6: {  	[dreg:$0x3] =	wrdreg s15  }
0xb7: {  	[dreg:$0x4] =	wrdreg s17  }
0xb8: {  	[dreg:$0x5] =	wrdreg s4  }
0xb9: {  	[dreg:$0x6] =	wrdreg s24  }
0xba: {  	[dreg:$0x7] =	wrdreg $0x9  }
0xbb: {  	_ =	task.clear_ibuf [dreg:s10], $0x8FFFF;
	_ =	strace $0x90000046  }
0xbc: {  	s29 =	simm.s32 $0x9;
	_ =	strace $0x80000048  }
0xbd: {  	_ =	swait.ge [sflag:s29], $0x1  }
0xbe: {  	[sflag:s29] =	ssyncadd.s32 $0xFFFFFFFF  }
0xbf: {  	_ =	strace $0x90000048  }
0xc0: {  	_ =	sfence  }
0xc1: {  	s30 =	sld [smem:$0x0];
	_ =	sdelay $0x2  }
0xc2: {  	s31 =	sshll.u32 s1, $0xD;
	s1 =	sshrl.u32 s1, $0x2  }
0xc3: {  	s3 =	sand.u32 $0x4000, s31;
	s1 =	sadd.s32 s1, s30  }
0xc4: {  	s0 =	sor.u32 s3, s0;
	s1 =	sshll.u32 s1, $0x11  }
0xc5: {  	s0 =	sor.u32 s1, s0  }
0xc6: {  	s0 =	sadd.s32 $0x8F2B, s0  }
0xc7: {  	[sflag:s0] =	ssyncadd.remote.s32 $0x1  }
0xc8: {  	_ =	sfence.sel $0xFFFF  }
0xc9: {  	[dreg:$0x0] =	wrdreg $0xFFFFFFFF;
	(pc) =	sbr.abs _section_cstart, $3  }
0xca: {  	[dreg:$0x1] =	wrdreg $0xFFFFFFFF  }
0xcb: {  	_ =	task.clear_ibuf [dreg:s10], $0x2FFFF;
	_ =	strace $0x9FFFFFFF  }
0xcc: {  	(tm) =	ssettm $0x7FFFFFFF  }
0xcd: {  	_ =	shalt  }
tec
execute0_lowered:
.L_overlay_start_1:
0x0: {  	(tag) =	ssettag $0x1  }
0x1: {  	s1 =	rddreg [dreg:$0x0]  }
0x2: {  	s2 =	rddreg [dreg:$0x1]  }
0x3: {  	s6 =	rddreg [dreg:$0x3]  }
0x4: {  	s0 =	rddreg [dreg:$0x4];
	s5 =	simm.s32 $0x0;
	s3 =	srdreg.scid  }
0x5: {  	s8 =	stileid.u32;
	s17 =	simm.s32 $0x6;
	s18 =	simm.s32 $0x100  }
0x6: {  	s22 =	simm.s32 $0xC100;
	s12 =	simm.s32 $0x13100;
	s16 =	simm.s32 $0x13900  }
0x7: {  	s10 =	simm.s32 $0x14100;
	s11 =	simm.s32 $0x14900;
	s19 =	simm.s32 $0x15100  }
0x8: {  	s20 =	simm.s32 $0x15900;
	s15 =	simm.s32 $0x16100;
	s21 =	simm.s32 $0x16900  }
0x9: {  	s23 =	simm.s32 $0x17100;
	s24 =	simm.s32 $0x17900;
	s25 =	simm.s32 $0x1  }
0xa: {  	s28 =	simm.s32 $0x3;
	[smem:$0x7FF] =	sst s5;
	s7 =	sadd.s32 $0x1C00, s0  }
0xb: {  	s3 =	sand.u32 $0x1, s3;
	s0 =	sadd.s32 $0xC1C00, s0;
	s30 =	sadd.s32 $0x100, s6  }
0xc: {  	s6 =	sadd.s32 $0x200, s6;
	_ =	strace $0x80000047;
	[dreg:$0x6] =	wrdreg s0  }
0xd: {  	s13 =	sadd.s32 $0x100, s2;
	s14 =	sadd.s32 $0x200, s2;
	[dreg:$0x7] =	wrdreg s30  }
0xe: {  	s4 =	ssub.s32 $0x2, s3;
	s3 =	sshll.u32 s3, $0x4;
	[dreg:$0x8] =	wrdreg s6  }
0xf: {  	s6 =	simm.s32 $0x0;
	s26 =	sshrl.u32 s4, $0x1;
	s3 =	sor.u32 s8, s3  }
.Ltmp0:
0x10: {  	s8 =	simm.s32 $0x12900;
	s29 =	sshll.u32 s3, $0x5;
	(pc) =	sbr.rel .LBB2_1-.Ltmp0, $4  }
0x11: {  	s0 =	ssub.s32 s4, s26;
	s9 =	sshll.u32 s3, $0x8;
	s4 =	sadd.s32 s1, s29  }
0x12: {  	v2 =	vlaneseq.u32;
	p0 =	sne.s32 s3, $0x0;
	s31 =	sor.u32 $0x80, s9;
	[dreg:$0x9] =	wrdreg s4  }
0x13: {  	vm1 =	vmmov $0xffff;
	v0 =	vand.u32 $0x7, v2;
	v1 =	vshrl.u32 v2, $0x3;
	s3 =	simm.s32 $0x11900;
	s0 =	smax.u32 s0, $0x1;
	[dreg:$0xa] =	wrdreg s31  }
0x14: {  	v2 =	vor.u32 $0x8, v2;
	v1 =	vmul.u32 $0x8, v1;
	s26 =	simm.s32 $0x2;
	vm0 =	vmmov @!p0 $0xffff;
	[dreg:$0xb] =	wrdreg s0;
	s4 =	simm.s32 $0x12100  }
.LBB2_5:
0x15: {  	s0 =	simm.s32 $0x4  }
0x16: {  	_ =	swait.ge [sflag:s0], $0xC000  }
0x17: {  	[sflag:s0] =	ssyncset.done $0x0  }
0x18: {  	[sflag:s0] =	ssyncadd.s32 $0xFFFF4000;
	s0 =	simm.s32 @!p0 $0x5  }
0x19: {  	_ =	swait.ge @!p0 [sflag:s0], $0x3000  }
0x1a: {  	s29 =	simm.s32 @!p0 $0x18180;
	[sflag:s0] =	ssyncset.done @!p0 $0x0  }
0x1b: {  	s30 =	rddreg [dreg:$0x6];
	[sflag:s0] =	ssyncadd.s32 @!p0 $0xFFFFD000;
	s0 =	simm.s32 @!p0 $0x0  }
0x1c: {  	[hbm4b:s30+s0] =	stream.linear.scatter @!p0 [tilespmem:s29], [sflag:$0x6], $0x3000, $0x38;
	[tilespmem:$0x1B180] =	vst v63  }
0x1d: {  	s0 =	simm.s32 @!p0 $0x6  }
0x1e: {  	_ =	swait.ge @!p0 [sflag:s0], $0x3000  }
0x1f: {  	s6 =	rddreg [dreg:$0xc]  }
0x20: {  	s31 =	rddreg [dreg:$0xb];
	s6 =	sadd.s32 $0x1, s6  }
0x21: {  	p1 =	sne.s32 s6, s31  }
.Ltmp1:
0x22: {  	_ = 	snop;
	(pc) =	sbr.rel @!p1 .LBB2_6-.Ltmp1, $3  }
0x23: {  	_ =	sdelay $0x1  }
0x24: {  	[sflag:s0] =	ssyncset.done @!p0 $0x0  }
0x25: {  	[sflag:s0] =	ssyncadd.s32 @!p0 $0xFFFFD000  }
.LBB2_1:
0x26: {  	s29 =	simm.s32 @!p0 $0x0;
	s30 =	simm.s32 @!p0 $0x18100;
	s0 =	rddreg [dreg:$0x2]  }
0x27: {  	[tilespmem:s30], [sflag:$0x6] =	stream.linear.gather @!p0 [hbm4b:s0+s29], $0x80, $0x38;
	[tilespmem:$0x1B180] =	vst v63  }
0x28: {  	[dreg:$0xc] =	wrdreg s6;
	s30 =	simm.s32 @!p0 $0x6  }
0x29: {  	_ =	swait.ge @!p0 [sflag:s30], $0x80  }
0x2a: {  	[sflag:s30] =	ssyncset.done @!p0 $0x0  }
0x2b: {  	[sflag:s30] =	ssyncadd.s32 @!p0 $0xFFFFFF80  }
0x2c: {  	v3 =	vld @!p0 [tilespmem:$0x18100];
	_ =	sdelay $0x4  }
0x2d: {  	v4 =	vshrl.u32 @!p0 v3, $0x3  }
0x2e: {  	v4 =	vmul.u32 @!p0 $0x30, v4  }
0x2f: {  	v5 =	vlaneseq.u32 @!p0;
	v3 =	vand.u32 @!p0 $0x7, v3  }
0x30: {  	v6 =	vshrl.u32 @!p0 v5, $0x3;
	v3 =	vor.u32 @!p0 v3, v4;
	v4 =	vand.u32 @!p0 $0x7, v5  }
0x31: {  	v6 =	vmul.u32 @!p0 $0x8, v6;
	v4 =	vperm.xlane @!p0 v3, v4;
	_ =	sdelay $0x1  }
0x32: {  	v4 =	vadd.s32 @!p0 v6, v4;
	_ =	sdelay $0x2  }
0x33: {  	v5 =	vor.u32 @!p0 $0x8, v5  }
0x34: {  	s30 =	simm.s32 @!p0 $0x18180;
	s6 =	rddreg [dreg:$0x3];
	v3 =	vperm.xlane @!p0 v3, v5  }
0x35: {  	[tilespmem:s30], [sflag:$0x5] =	stream.indirect_vreg.gather @!p0 [hbm4b:s6+s29], $0x80, v4, vm0, $0xb8;
	[tilespmem:$0x1B180] =	vst v63  }
0x36: {  	s31 =	rddreg [dreg:$0x7];
	v3 =	vadd.s32 @!p0 v6, v3;
	s30 =	simm.s32 @!p0 $0x18980  }
0x37: {  	[tilespmem:s30], [sflag:$0x5] =	stream.indirect_vreg.gather @!p0 [hbm4b:s31+s29], $0x80, v4, vm0, $0xb8;
	[tilespmem:$0x1B180] =	vst v63  }
0x38: {  	s0 =	rddreg [dreg:$0x8];
	s30 =	simm.s32 @!p0 $0x19180  }
0x39: {  	[tilespmem:s30], [sflag:$0x5] =	stream.indirect_vreg.gather @!p0 [hbm4b:s0+s29], $0x80, v4, vm0, $0xb8;
	[tilespmem:$0x1B180] =	vst v63  }
0x3a: {  	s30 =	simm.s32 @!p0 $0x19980  }
0x3b: {  	[tilespmem:s30], [sflag:$0x5] =	stream.indirect_vreg.gather @!p0 [hbm4b:s6+s29], $0x80, v3, vm0, $0xb8;
	[tilespmem:$0x1B180] =	vst v63  }
0x3c: {  	s30 =	simm.s32 @!p0 $0x1A180  }
0x3d: {  	[tilespmem:s30], [sflag:$0x5] =	stream.indirect_vreg.gather @!p0 [hbm4b:s31+s29], $0x80, v3, vm0, $0xb8;
	[tilespmem:$0x1B180] =	vst v63  }
0x3e: {  	s30 =	simm.s32 @!p0 $0x1A980  }
0x3f: {  	[tilespmem:s30], [sflag:$0x5] =	stream.indirect_vreg.gather @!p0 [hbm4b:s0+s29], $0x80, v3, vm0, $0xb8;
	[tilespmem:$0x1B180] =	vst v63  }
0x40: {  	s6 =	rddreg [dreg:$0x9]  }
0x41: {  	[tilespmem:s5], [sflag:$0x6] =	stream.linear.gather [hbm4b:s6+s5], $0x40, $0x38;
	[tilespmem:$0x1B180] =	vst v63  }
0x42: {  	_ =	swait.ge [sflag:s17], $0x40  }
0x43: {  	[sflag:s17] =	ssyncset.done $0x0  }
0x44: {  	[sflag:s17] =	ssyncadd.s32 $0xFFFFFFC0  }
0x45: {  	v3 =	vld [tilespmem:$0x0];
	_ =	sdelay $0x4  }
0x46: {  	v60 =	vshrl.u32 v3, $0x3  }
0x47: {  	v4 =	vmul.u32 $0x30, v60  }
0x48: {  	v3 =	vand.u32 $0x7, v3  }
0x49: {  	v3 =	vor.u32 v3, v4  }
0x4a: {  	v4 =	vperm.xlane v3, v0;
	_ =	sdelay $0x1  }
0x4b: {  	v4 =	vadd.s32 v1, v4;
	_ =	sdelay $0x3  }
0x4c: {  	v3 =	vperm.xlane v3, v2  }
0x4d: {  	[tilespmem:s18], [sflag:$0x1] =	stream.indirect_vreg.gather [hbm4b:s2+s5], $0x80, v4, vm1, $0xb8;
	[tilespmem:$0x1B180] =	vst v63  }
0x4e: {  	s29 =	simm.s32 $0x900;
	v3 =	vadd.s32 v1, v3  }
0x4f: {  	[tilespmem:s29], [sflag:$0x1] =	stream.indirect_vreg.gather [hbm4b:s13+s5], $0x80, v4, vm1, $0xb8;
	[tilespmem:$0x1B180] =	vst v63  }
0x50: {  	s31 =	simm.s32 $0x1100  }
0x51: {  	[tilespmem:s31], [sflag:$0x1] =	stream.indirect_vreg.gather [hbm4b:s14+s5], $0x80, v4, vm1, $0xb8;
	[tilespmem:$0x1B180] =	vst v63  }
0x52: {  	s6 =	simm.s32 $0x1900  }
0x53: {  	[tilespmem:s6], [sflag:$0x1] =	stream.indirect_vreg.gather [hbm4b:s2+s5], $0x80, v3, vm1, $0xb8;
	[tilespmem:$0x1B180] =	vst v63  }
0x54: {  	s29 =	simm.s32 $0x2100  }
0x55: {  	[tilespmem:s29], [sflag:$0x1] =	stream.indirect_vreg.gather [hbm4b:s13+s5], $0x80, v3, vm1, $0xb8;
	[tilespmem:$0x1B180] =	vst v63  }
0x56: {  	s31 =	simm.s32 $0x2900  }
0x57: {  	[tilespmem:s31], [sflag:$0x1] =	stream.indirect_vreg.gather [hbm4b:s14+s5], $0x80, v3, vm1, $0xb8;
	[tilespmem:$0x1B180] =	vst v63  }
0x58: {  	v3 =	vld [tilespmem:$0x10];
	_ =	sdelay $0x4  }
0x59: {  	v61 =	vshrl.u32 v3, $0x3  }
0x5a: {  	v4 =	vmul.u32 $0x30, v61  }
0x5b: {  	v3 =	vand.u32 $0x7, v3  }
0x5c: {  	v3 =	vor.u32 v3, v4  }
0x5d: {  	v4 =	vperm.xlane v3, v0;
	_ =	sdelay $0x1  }
0x5e: {  	v4 =	vadd.s32 v1, v4;
	_ =	sdelay $0x3  }
0x5f: {  	s6 =	simm.s32 $0x3100;
	v3 =	vperm.xlane v3, v2  }
0x60: {  	[tilespmem:s6], [sflag:$0x1] =	stream.indirect_vreg.gather [hbm4b:s2+s5], $0x80, v4, vm1, $0xb8;
	[tilespmem:$0x1B180] =	vst v63  }
0x61: {  	s29 =	simm.s32 $0x3900;
	v3 =	vadd.s32 v1, v3  }
0x62: {  	[tilespmem:s29], [sflag:$0x1] =	stream.indirect_vreg.gather [hbm4b:s13+s5], $0x80, v4, vm1, $0xb8;
	[tilespmem:$0x1B180] =	vst v63  }
0x63: {  	s31 =	simm.s32 $0x4100  }
0x64: {  	[tilespmem:s31], [sflag:$0x1] =	stream.indirect_vreg.gather [hbm4b:s14+s5], $0x80, v4, vm1, $0xb8;
	[tilespmem:$0x1B180] =	vst v63  }
0x65: {  	s6 =	simm.s32 $0x4900  }
0x66: {  	[tilespmem:s6], [sflag:$0x1] =	stream.indirect_vreg.gather [hbm4b:s2+s5], $0x80, v3, vm1, $0xb8;
	[tilespmem:$0x1B180] =	vst v63  }
0x67: {  	s29 =	simm.s32 $0x5100  }
0x68: {  	[tilespmem:s29], [sflag:$0x1] =	stream.indirect_vreg.gather [hbm4b:s13+s5], $0x80, v3, vm1, $0xb8;
	[tilespmem:$0x1B180] =	vst v63  }
0x69: {  	s31 =	simm.s32 $0x5900  }
0x6a: {  	[tilespmem:s31], [sflag:$0x1] =	stream.indirect_vreg.gather [hbm4b:s14+s5], $0x80, v3, vm1, $0xb8;
	[tilespmem:$0x1B180] =	vst v63  }
0x6b: {  	v3 =	vld [tilespmem:$0x20];
	_ =	sdelay $0x4  }
0x6c: {  	v62 =	vshrl.u32 v3, $0x3  }
0x6d: {  	v4 =	vmul.u32 $0x30, v62  }
0x6e: {  	v3 =	vand.u32 $0x7, v3  }
0x6f: {  	v3 =	vor.u32 v3, v4  }
0x70: {  	v4 =	vperm.xlane v3, v0;
	_ =	sdelay $0x1  }
0x71: {  	v4 =	vadd.s32 v1, v4;
	_ =	sdelay $0x3  }
0x72: {  	s6 =	simm.s32 $0x6100;
	v3 =	vperm.xlane v3, v2  }
0x73: {  	[tilespmem:s6], [sflag:$0x1] =	stream.indirect_vreg.gather [hbm4b:s2+s5], $0x80, v4, vm1, $0xb8;
	[tilespmem:$0x1B180] =	vst v63  }
0x74: {  	s29 =	simm.s32 $0x6900;
	v3 =	vadd.s32 v1, v3  }
0x75: {  	[tilespmem:s29], [sflag:$0x1] =	stream.indirect_vreg.gather [hbm4b:s13+s5], $0x80, v4, vm1, $0xb8;
	[tilespmem:$0x1B180] =	vst v63  }
0x76: {  	s31 =	simm.s32 $0x7100  }
0x77: {  	[tilespmem:s31], [sflag:$0x1] =	stream.indirect_vreg.gather [hbm4b:s14+s5], $0x80, v4, vm1, $0xb8;
	[tilespmem:$0x1B180] =	vst v63  }
0x78: {  	s6 =	simm.s32 $0x7900  }
0x79: {  	[tilespmem:s6], [sflag:$0x1] =	stream.indirect_vreg.gather [hbm4b:s2+s5], $0x80, v3, vm1, $0xb8;
	[tilespmem:$0x1B180] =	vst v63  }
0x7a: {  	s29 =	simm.s32 $0x8100  }
0x7b: {  	[tilespmem:s29], [sflag:$0x1] =	stream.indirect_vreg.gather [hbm4b:s13+s5], $0x80, v3, vm1, $0xb8;
	[tilespmem:$0x1B180] =	vst v63  }
0x7c: {  	s31 =	simm.s32 $0x8900  }
0x7d: {  	[tilespmem:s31], [sflag:$0x1] =	stream.indirect_vreg.gather [hbm4b:s14+s5], $0x80, v3, vm1, $0xb8;
	[tilespmem:$0x1B180] =	vst v63  }
0x7e: {  	v3 =	vld [tilespmem:$0x30];
	_ =	sdelay $0x4  }
0x7f: {  	v63 =	vshrl.u32 v3, $0x3  }
0x80: {  	v4 =	vmul.u32 $0x30, v63  }
0x81: {  	v3 =	vand.u32 $0x7, v3  }
0x82: {  	v3 =	vor.u32 v3, v4  }
0x83: {  	v4 =	vperm.xlane v3, v0;
	_ =	sdelay $0x1  }
0x84: {  	v4 =	vadd.s32 v1, v4;
	_ =	sdelay $0x3  }
0x85: {  	s6 =	simm.s32 $0x9100;
	v3 =	vperm.xlane v3, v2  }
0x86: {  	[tilespmem:s6], [sflag:$0x1] =	stream.indirect_vreg.gather [hbm4b:s2+s5], $0x80, v4, vm1, $0xb8;
	[tilespmem:$0x1B180] =	vst v63  }
0x87: {  	s29 =	simm.s32 $0x9900;
	v3 =	vadd.s32 v1, v3  }
0x88: {  	[tilespmem:s29], [sflag:$0x1] =	stream.indirect_vreg.gather [hbm4b:s13+s5], $0x80, v4, vm1, $0xb8;
	[tilespmem:$0x1B180] =	vst v63  }
0x89: {  	s31 =	simm.s32 $0xA100  }
0x8a: {  	[tilespmem:s31], [sflag:$0x1] =	stream.indirect_vreg.gather [hbm4b:s14+s5], $0x80, v4, vm1, $0xb8;
	[tilespmem:$0x1B180] =	vst v63  }
0x8b: {  	s6 =	simm.s32 $0xA900  }
0x8c: {  	[tilespmem:s6], [sflag:$0x1] =	stream.indirect_vreg.gather [hbm4b:s2+s5], $0x80, v3, vm1, $0xb8;
	[tilespmem:$0x1B180] =	vst v63  }
.Ltmp2:
0x8d: {  	_ = 	snop;
	(pc) =	sbr.rel .LBB2_2-.Ltmp2, $4  }
0x8e: {  	p2 =	por $0x1, $0x1;
	s29 =	simm.s32 $0xB100  }
0x8f: {  	[tilespmem:s29], [sflag:$0x1] =	stream.indirect_vreg.gather [hbm4b:s13+s5], $0x80, v3, vm1, $0xb8;
	[tilespmem:$0x1B180] =	vst v63  }
0x90: {  	p1 =	por $0x0, $0x0;
	s30 =	simm.s32 $0x0;
	s31 =	simm.s32 $0xB900  }
0x91: {  	[tilespmem:s31], [sflag:$0x1] =	stream.indirect_vreg.gather [hbm4b:s14+s5], $0x80, v3, vm1, $0xb8;
	[tilespmem:$0x1B180] =	vst v63  }
.LBB2_4:
.Ltmp3:
0x92: {  	(pc) =	sbr.rel @!p3 .LBB2_5-.Ltmp3, $4  }
0x93: {  	s0 =	smul.u32 $0x300, s29  }
0x94: {  	s30 =	simm.s32 $0x80  }
0x95: {  	p2 =	por $0x0, $0x0;
	p1 =	por $0x1, $0x1;
	s0 =	sadd.s32 s7, s0  }
0x96: {  	[hbm4b:s0+s5] =	stream.linear.scatter [tilespmem:s22], [sflag:$0x4], $0xC000, $0x38;
	[tilespmem:$0x1B180] =	vst v63  }
.LBB2_2:
0x97: {  	s0 =	simm.s32 @p1 $0x4;
	s29 =	sor.u32 s30, s9  }
0x98: {  	_ =	swait.ge @p1 [sflag:s0], $0xC000;
	s31 =	sshrl.u32 s29, $0x3  }
0x99: {  	[sflag:s0] =	ssyncset.done @p1 $0x0;
	s29 =	sor.u32 $0x8, s31  }
0x9a: {  	s6 =	simm.s32 $0x80;
	[sflag:s0] =	ssyncadd.s32 @p1 $0xFFFF4000;
	s0 =	sadd.s32 s1, s29  }
0x9b: {  	[tilespmem:s6], [sflag:$0x6] =	stream.linear.gather [hbm4b:s0+s5], $0x40, $0x38;
	[tilespmem:$0x1B180] =	vst v63  }
0x9c: {  	_ =	swait.ge [sflag:s17], $0x40  }
0x9d: {  	[sflag:s17] =	ssyncset.done $0x0  }
0x9e: {  	[sflag:s17] =	ssyncadd.s32 $0xFFFFFFC0  }
0x9f: {  	v3 =	vld [tilespmem:$0x80];
	_ =	sdelay $0x4  }
0xa0: {  	v4 =	vshrl.u32 v3, $0x3  }
0xa1: {  	v4 =	vmul.u32 $0x30, v4  }
0xa2: {  	v3 =	vand.u32 $0x7, v3  }
0xa3: {  	v3 =	vor.u32 v3, v4  }
0xa4: {  	v4 =	vperm.xlane v3, v0;
	_ =	sdelay $0x1  }
0xa5: {  	v4 =	vadd.s32 v1, v4;
	_ =	sdelay $0x3  }
0xa6: {  	v3 =	vperm.xlane v3, v2  }
0xa7: {  	[tilespmem:s22], [sflag:$0x2] =	stream.indirect_vreg.gather [hbm4b:s2+s5], $0x80, v4, vm1, $0xb8;
	[tilespmem:$0x1B180] =	vst v63  }
0xa8: {  	s6 =	simm.s32 $0xC900;
	v3 =	vadd.s32 v1, v3  }
0xa9: {  	[tilespmem:s6], [sflag:$0x2] =	stream.indirect_vreg.gather [hbm4b:s13+s5], $0x80, v4, vm1, $0xb8;
	[tilespmem:$0x1B180] =	vst v63  }
0xaa: {  	s6 =	simm.s32 $0xD100  }
0xab: {  	[tilespmem:s6], [sflag:$0x2] =	stream.indirect_vreg.gather [hbm4b:s14+s5], $0x80, v4, vm1, $0xb8;
	[tilespmem:$0x1B180] =	vst v63  }
0xac: {  	s6 =	simm.s32 $0xD900  }
0xad: {  	[tilespmem:s6], [sflag:$0x2] =	stream.indirect_vreg.gather [hbm4b:s2+s5], $0x80, v3, vm1, $0xb8;
	[tilespmem:$0x1B180] =	vst v63  }
0xae: {  	s6 =	simm.s32 $0xE100  }
0xaf: {  	[tilespmem:s6], [sflag:$0x2] =	stream.indirect_vreg.gather [hbm4b:s13+s5], $0x80, v3, vm1, $0xb8;
	[tilespmem:$0x1B180] =	vst v63  }
0xb0: {  	s6 =	simm.s32 $0xE900  }
0xb1: {  	[tilespmem:s6], [sflag:$0x2] =	stream.indirect_vreg.gather [hbm4b:s14+s5], $0x80, v3, vm1, $0xb8;
	[tilespmem:$0x1B180] =	vst v63  }
0xb2: {  	v3 =	vld [tilespmem:$0x90];
	_ =	sdelay $0x4  }
0xb3: {  	v61 =	vshrl.u32 v3, $0x3  }
0xb4: {  	v4 =	vmul.u32 $0x30, v61  }
0xb5: {  	v3 =	vand.u32 $0x7, v3  }
0xb6: {  	v3 =	vor.u32 v3, v4  }
0xb7: {  	v4 =	vperm.xlane v3, v0;
	_ =	sdelay $0x1  }
0xb8: {  	v4 =	vadd.s32 v1, v4;
	_ =	sdelay $0x3  }
0xb9: {  	s6 =	simm.s32 $0xF100;
	v3 =	vperm.xlane v3, v2  }
0xba: {  	[tilespmem:s6], [sflag:$0x2] =	stream.indirect_vreg.gather [hbm4b:s2+s5], $0x80, v4, vm1, $0xb8;
	[tilespmem:$0x1B180] =	vst v63  }
0xbb: {  	v3 =	vadd.s32 v1, v3;
	s6 =	simm.s32 $0xF900  }
0xbc: {  	[tilespmem:s6], [sflag:$0x2] =	stream.indirect_vreg.gather [hbm4b:s13+s5], $0x80, v4, vm1, $0xb8;
	[tilespmem:$0x1B180] =	vst v63  }
0xbd: {  	s6 =	simm.s32 $0x10100  }
0xbe: {  	[tilespmem:s6], [sflag:$0x2] =	stream.indirect_vreg.gather [hbm4b:s14+s5], $0x80, v4, vm1, $0xb8;
	[tilespmem:$0x1B180] =	vst v63  }
0xbf: {  	s6 =	simm.s32 $0x10900  }
0xc0: {  	[tilespmem:s6], [sflag:$0x2] =	stream.indirect_vreg.gather [hbm4b:s2+s5], $0x80, v3, vm1, $0xb8;
	[tilespmem:$0x1B180] =	vst v63  }
0xc1: {  	s6 =	simm.s32 $0x11100  }
0xc2: {  	[tilespmem:s6], [sflag:$0x2] =	stream.indirect_vreg.gather [hbm4b:s13+s5], $0x80, v3, vm1, $0xb8;
	[tilespmem:$0x1B180] =	vst v63  }
0xc3: {  	_ = 	snop  }
0xc4: {  	[tilespmem:s3], [sflag:$0x2] =	stream.indirect_vreg.gather [hbm4b:s14+s5], $0x80, v3, vm1, $0xb8;
	[tilespmem:$0x1B180] =	vst v63  }
0xc5: {  	v3 =	vld [tilespmem:$0xA0];
	_ =	sdelay $0x4  }
0xc6: {  	v62 =	vshrl.u32 v3, $0x3  }
0xc7: {  	v4 =	vmul.u32 $0x30, v62  }
0xc8: {  	v3 =	vand.u32 $0x7, v3  }
0xc9: {  	v3 =	vor.u32 v3, v4  }
0xca: {  	v4 =	vperm.xlane v3, v0;
	_ =	sdelay $0x1  }
0xcb: {  	v4 =	vadd.s32 v1, v4;
	_ =	sdelay $0x3  }
0xcc: {  	v3 =	vperm.xlane v3, v2  }
0xcd: {  	[tilespmem:s4], [sflag:$0x2] =	stream.indirect_vreg.gather [hbm4b:s2+s5], $0x80, v4, vm1, $0xb8;
	[tilespmem:$0x1B180] =	vst v63  }
0xce: {  	v3 =	vadd.s32 v1, v3  }
0xcf: {  	[tilespmem:s8], [sflag:$0x2] =	stream.indirect_vreg.gather [hbm4b:s13+s5], $0x80, v4, vm1, $0xb8;
	[tilespmem:$0x1B180] =	vst v63  }
0xd0: {  	_ = 	snop  }
0xd1: {  	[tilespmem:s12], [sflag:$0x2] =	stream.indirect_vreg.gather [hbm4b:s14+s5], $0x80, v4, vm1, $0xb8;
	[tilespmem:$0x1B180] =	vst v63  }
0xd2: {  	_ = 	snop  }
0xd3: {  	[tilespmem:s16], [sflag:$0x2] =	stream.indirect_vreg.gather [hbm4b:s2+s5], $0x80, v3, vm1, $0xb8;
	[tilespmem:$0x1B180] =	vst v63  }
0xd4: {  	_ = 	snop  }
0xd5: {  	[tilespmem:s10], [sflag:$0x2] =	stream.indirect_vreg.gather [hbm4b:s13+s5], $0x80, v3, vm1, $0xb8;
	[tilespmem:$0x1B180] =	vst v63  }
0xd6: {  	_ = 	snop  }
0xd7: {  	[tilespmem:s11], [sflag:$0x2] =	stream.indirect_vreg.gather [hbm4b:s14+s5], $0x80, v3, vm1, $0xb8;
	[tilespmem:$0x1B180] =	vst v63  }
0xd8: {  	v3 =	vld [tilespmem:$0xB0];
	_ =	sdelay $0x4  }
0xd9: {  	v63 =	vshrl.u32 v3, $0x3  }
0xda: {  	v4 =	vmul.u32 $0x30, v63  }
0xdb: {  	v3 =	vand.u32 $0x7, v3  }
0xdc: {  	v3 =	vor.u32 v3, v4  }
0xdd: {  	v4 =	vperm.xlane v3, v0;
	_ =	sdelay $0x1  }
0xde: {  	v4 =	vadd.s32 v1, v4;
	_ =	sdelay $0x3  }
0xdf: {  	v3 =	vperm.xlane v3, v2  }
0xe0: {  	[tilespmem:s19], [sflag:$0x2] =	stream.indirect_vreg.gather [hbm4b:s2+s5], $0x80, v4, vm1, $0xb8;
	[tilespmem:$0x1B180] =	vst v63  }
0xe1: {  	v3 =	vadd.s32 v1, v3  }
0xe2: {  	[tilespmem:s20], [sflag:$0x2] =	stream.indirect_vreg.gather [hbm4b:s13+s5], $0x80, v4, vm1, $0xb8;
	[tilespmem:$0x1B180] =	vst v63  }
0xe3: {  	_ = 	snop  }
0xe4: {  	[tilespmem:s15], [sflag:$0x2] =	stream.indirect_vreg.gather [hbm4b:s14+s5], $0x80, v4, vm1, $0xb8;
	[tilespmem:$0x1B180] =	vst v63  }
0xe5: {  	_ = 	snop  }
0xe6: {  	[tilespmem:s21], [sflag:$0x2] =	stream.indirect_vreg.gather [hbm4b:s2+s5], $0x80, v3, vm1, $0xb8;
	[tilespmem:$0x1B180] =	vst v63  }
0xe7: {  	_ = 	snop  }
0xe8: {  	[tilespmem:s23], [sflag:$0x2] =	stream.indirect_vreg.gather [hbm4b:s13+s5], $0x80, v3, vm1, $0xb8;
	[tilespmem:$0x1B180] =	vst v63  }
0xe9: {  	_ = 	snop  }
0xea: {  	[tilespmem:s24], [sflag:$0x2] =	stream.indirect_vreg.gather [hbm4b:s14+s5], $0x80, v3, vm1, $0xb8;
	[tilespmem:$0x1B180] =	vst v63  }
0xeb: {  	s31 =	smul.u32 $0x300, s31;
	_ =	swait.ge [sflag:s25], $0xC000  }
0xec: {  	[sflag:s25] =	ssyncset.done $0x0  }
0xed: {  	s0 =	sadd.s32 s7, s31;
	[sflag:s25] =	ssyncadd.s32 $0xFFFF4000  }
0xee: {  	[hbm4b:s0+s5] =	stream.linear.scatter [tilespmem:s18], [sflag:$0x3], $0xC000, $0x38;
	[tilespmem:$0x1B180] =	vst v63  }
0xef: {  	_ =	swait.ge [sflag:s26], $0xC000  }
.Ltmp4:
0xf0: {  	[sflag:s26] =	ssyncset.done $0x0;
	(pc) =	sbr.rel @p1 .LBB2_4-.Ltmp4, $4  }
0xf1: {  	[sflag:s26] =	ssyncadd.s32 $0xFFFF4000  }
0xf2: {  	_ =	swait.ge [sflag:s28], $0xC000  }
0xf3: {  	[sflag:s28] =	ssyncset.done $0x0  }
0xf4: {  	p3 =	por p2, p2;
	[sflag:s28] =	ssyncadd.s32 $0xFFFF4000  }
0xf5: {  	s0 =	rddreg [dreg:$0xa]  }
0xf6: {  	s0 =	sadd.s32 s30, s0  }
0xf7: {  	s0 =	sshrl.u32 s0, $0x3  }
0xf8: {  	s0 =	sadd.s32 s1, s0  }
0xf9: {  	[tilespmem:s5], [sflag:$0x6] =	stream.linear.gather [hbm4b:s0+s5], $0x40, $0x38;
	[tilespmem:$0x1B180] =	vst v63  }
0xfa: {  	_ =	swait.ge [sflag:s17], $0x40  }
0xfb: {  	[sflag:s17] =	ssyncset.done $0x0  }
0xfc: {  	[sflag:s17] =	ssyncadd.s32 $0xFFFFFFC0  }
0xfd: {  	v3 =	vld [tilespmem:$0x0];
	_ =	sdelay $0x4  }
0xfe: {  	v4 =	vshrl.u32 v3, $0x3  }
0xff: {  	v4 =	vmul.u32 $0x30, v4  }
0x100: {  	v3 =	vand.u32 $0x7, v3  }
0x101: {  	v3 =	vor.u32 v3, v4  }
0x102: {  	v4 =	vperm.xlane v3, v0;
	_ =	sdelay $0x1  }
0x103: {  	v4 =	vadd.s32 v1, v4;
	_ =	sdelay $0x3  }
0x104: {  	v3 =	vperm.xlane v3, v2  }
0x105: {  	[tilespmem:s18], [sflag:$0x1] =	stream.indirect_vreg.gather [hbm4b:s2+s5], $0x80, v4, vm1, $0xb8;
	[tilespmem:$0x1B180] =	vst v63  }
0x106: {  	s30 =	simm.s32 $0x900;
	v3 =	vadd.s32 v1, v3  }
0x107: {  	[tilespmem:s30], [sflag:$0x1] =	stream.indirect_vreg.gather [hbm4b:s13+s5], $0x80, v4, vm1, $0xb8;
	[tilespmem:$0x1B180] =	vst v63  }
0x108: {  	s31 =	simm.s32 $0x1100  }
0x109: {  	[tilespmem:s31], [sflag:$0x1] =	stream.indirect_vreg.gather [hbm4b:s14+s5], $0x80, v4, vm1, $0xb8;
	[tilespmem:$0x1B180] =	vst v63  }
0x10a: {  	s6 =	simm.s32 $0x1900  }
0x10b: {  	[tilespmem:s6], [sflag:$0x1] =	stream.indirect_vreg.gather [hbm4b:s2+s5], $0x80, v3, vm1, $0xb8;
	[tilespmem:$0x1B180] =	vst v63  }
0x10c: {  	s30 =	simm.s32 $0x2100  }
0x10d: {  	[tilespmem:s30], [sflag:$0x1] =	stream.indirect_vreg.gather [hbm4b:s13+s5], $0x80, v3, vm1, $0xb8;
	[tilespmem:$0x1B180] =	vst v63  }
0x10e: {  	s31 =	simm.s32 $0x2900  }
0x10f: {  	[tilespmem:s31], [sflag:$0x1] =	stream.indirect_vreg.gather [hbm4b:s14+s5], $0x80, v3, vm1, $0xb8;
	[tilespmem:$0x1B180] =	vst v63  }
0x110: {  	v3 =	vld [tilespmem:$0x10];
	_ =	sdelay $0x4  }
0x111: {  	v61 =	vshrl.u32 v3, $0x3  }
0x112: {  	v4 =	vmul.u32 $0x30, v61  }
0x113: {  	v3 =	vand.u32 $0x7, v3  }
0x114: {  	v3 =	vor.u32 v3, v4  }
0x115: {  	v4 =	vperm.xlane v3, v0;
	_ =	sdelay $0x1  }
0x116: {  	v4 =	vadd.s32 v1, v4;
	_ =	sdelay $0x3  }
0x117: {  	s6 =	simm.s32 $0x3100;
	v3 =	vperm.xlane v3, v2  }
0x118: {  	[tilespmem:s6], [sflag:$0x1] =	stream.indirect_vreg.gather [hbm4b:s2+s5], $0x80, v4, vm1, $0xb8;
	[tilespmem:$0x1B180] =	vst v63  }
0x119: {  	s30 =	simm.s32 $0x3900;
	v3 =	vadd.s32 v1, v3  }
0x11a: {  	[tilespmem:s30], [sflag:$0x1] =	stream.indirect_vreg.gather [hbm4b:s13+s5], $0x80, v4, vm1, $0xb8;
	[tilespmem:$0x1B180] =	vst v63  }
0x11b: {  	s31 =	simm.s32 $0x4100  }
0x11c: {  	[tilespmem:s31], [sflag:$0x1] =	stream.indirect_vreg.gather [hbm4b:s14+s5], $0x80, v4, vm1, $0xb8;
	[tilespmem:$0x1B180] =	vst v63  }
0x11d: {  	s6 =	simm.s32 $0x4900  }
0x11e: {  	[tilespmem:s6], [sflag:$0x1] =	stream.indirect_vreg.gather [hbm4b:s2+s5], $0x80, v3, vm1, $0xb8;
	[tilespmem:$0x1B180] =	vst v63  }
0x11f: {  	s30 =	simm.s32 $0x5100  }
0x120: {  	[tilespmem:s30], [sflag:$0x1] =	stream.indirect_vreg.gather [hbm4b:s13+s5], $0x80, v3, vm1, $0xb8;
	[tilespmem:$0x1B180] =	vst v63  }
0x121: {  	s31 =	simm.s32 $0x5900  }
0x122: {  	[tilespmem:s31], [sflag:$0x1] =	stream.indirect_vreg.gather [hbm4b:s14+s5], $0x80, v3, vm1, $0xb8;
	[tilespmem:$0x1B180] =	vst v63  }
0x123: {  	v3 =	vld [tilespmem:$0x20];
	_ =	sdelay $0x4  }
0x124: {  	v62 =	vshrl.u32 v3, $0x3  }
0x125: {  	v4 =	vmul.u32 $0x30, v62  }
0x126: {  	v3 =	vand.u32 $0x7, v3  }
0x127: {  	v3 =	vor.u32 v3, v4  }
0x128: {  	v4 =	vperm.xlane v3, v0;
	_ =	sdelay $0x1  }
0x129: {  	v4 =	vadd.s32 v1, v4;
	_ =	sdelay $0x3  }
0x12a: {  	s6 =	simm.s32 $0x6100;
	v3 =	vperm.xlane v3, v2  }
0x12b: {  	[tilespmem:s6], [sflag:$0x1] =	stream.indirect_vreg.gather [hbm4b:s2+s5], $0x80, v4, vm1, $0xb8;
	[tilespmem:$0x1B180] =	vst v63  }
0x12c: {  	s30 =	simm.s32 $0x6900;
	v3 =	vadd.s32 v1, v3  }
0x12d: {  	[tilespmem:s30], [sflag:$0x1] =	stream.indirect_vreg.gather [hbm4b:s13+s5], $0x80, v4, vm1, $0xb8;
	[tilespmem:$0x1B180] =	vst v63  }
0x12e: {  	s31 =	simm.s32 $0x7100  }
0x12f: {  	[tilespmem:s31], [sflag:$0x1] =	stream.indirect_vreg.gather [hbm4b:s14+s5], $0x80, v4, vm1, $0xb8;
	[tilespmem:$0x1B180] =	vst v63  }
0x130: {  	s6 =	simm.s32 $0x7900  }
0x131: {  	[tilespmem:s6], [sflag:$0x1] =	stream.indirect_vreg.gather [hbm4b:s2+s5], $0x80, v3, vm1, $0xb8;
	[tilespmem:$0x1B180] =	vst v63  }
0x132: {  	s30 =	simm.s32 $0x8100  }
0x133: {  	[tilespmem:s30], [sflag:$0x1] =	stream.indirect_vreg.gather [hbm4b:s13+s5], $0x80, v3, vm1, $0xb8;
	[tilespmem:$0x1B180] =	vst v63  }
0x134: {  	s31 =	simm.s32 $0x8900  }
0x135: {  	[tilespmem:s31], [sflag:$0x1] =	stream.indirect_vreg.gather [hbm4b:s14+s5], $0x80, v3, vm1, $0xb8;
	[tilespmem:$0x1B180] =	vst v63  }
0x136: {  	v3 =	vld [tilespmem:$0x30];
	_ =	sdelay $0x4  }
0x137: {  	v63 =	vshrl.u32 v3, $0x3  }
0x138: {  	v4 =	vmul.u32 $0x30, v63  }
0x139: {  	v3 =	vand.u32 $0x7, v3  }
0x13a: {  	v3 =	vor.u32 v3, v4  }
0x13b: {  	v4 =	vperm.xlane v3, v0;
	_ =	sdelay $0x1  }
0x13c: {  	v4 =	vadd.s32 v1, v4;
	_ =	sdelay $0x3  }
0x13d: {  	s6 =	simm.s32 $0x9100;
	v3 =	vperm.xlane v3, v2  }
0x13e: {  	[tilespmem:s6], [sflag:$0x1] =	stream.indirect_vreg.gather [hbm4b:s2+s5], $0x80, v4, vm1, $0xb8;
	[tilespmem:$0x1B180] =	vst v63  }
0x13f: {  	s30 =	simm.s32 $0x9900;
	v3 =	vadd.s32 v1, v3  }
0x140: {  	[tilespmem:s30], [sflag:$0x1] =	stream.indirect_vreg.gather [hbm4b:s13+s5], $0x80, v4, vm1, $0xb8;
	[tilespmem:$0x1B180] =	vst v63  }
0x141: {  	s31 =	simm.s32 $0xA100  }
0x142: {  	[tilespmem:s31], [sflag:$0x1] =	stream.indirect_vreg.gather [hbm4b:s14+s5], $0x80, v4, vm1, $0xb8;
	[tilespmem:$0x1B180] =	vst v63  }
0x143: {  	s6 =	simm.s32 $0xA900  }
0x144: {  	[tilespmem:s6], [sflag:$0x1] =	stream.indirect_vreg.gather [hbm4b:s2+s5], $0x80, v3, vm1, $0xb8;
	[tilespmem:$0x1B180] =	vst v63  }
.Ltmp5:
0x145: {  	_ = 	snop;
	(pc) =	sbr.rel .LBB2_4-.Ltmp5, $4  }
0x146: {  	s30 =	simm.s32 $0xB100  }
0x147: {  	[tilespmem:s30], [sflag:$0x1] =	stream.indirect_vreg.gather [hbm4b:s13+s5], $0x80, v3, vm1, $0xb8;
	[tilespmem:$0x1B180] =	vst v63  }
0x148: {  	s31 =	simm.s32 $0xB900  }
0x149: {  	[tilespmem:s31], [sflag:$0x1] =	stream.indirect_vreg.gather [hbm4b:s14+s5], $0x80, v3, vm1, $0xb8;
	[tilespmem:$0x1B180] =	vst v63  }
.LBB2_6:
0x14a: {  	_ =	sfence.sel $0x180000  }
0x14b: {  	[bflag:$0x0] =	sbarrier.arrive $0xFFFF  }
0x14c: {  	_ =	strace $0x90000047  }
0x14d: {  	s0 =	stileid.u32;
	[bflag:$0x2] =	sbarrier.arrive $0xFFFF  }
0x14e: {  	p0 =	sne.s32 s0, $0x0;
	s0 =	rddreg [dreg:$0x5]  }
0x14f: {  	s0 =	sadd.s32 @!p0 $0x100000, s0  }
0x150: {  	[sflag:s0] =	ssyncadd.tile.s32 @!p0 $0x1;
	_ =	shalt  }
.Lfunc_end2:
_tile_overlayer_lowered:
.L_overlay_start_2:
0x151: {  	(tag) =	ssettag $0x2  }
0x152: {  	s0 =	rddreg [dreg:$0x0];
	s2 =	stileid.u32  }
0x153: {  	s1 =	rddreg [dreg:$0x1];
	p0 =	sne.s32 s2, $0x0  }
0x154: {  	s3 =	rddreg [dreg:$0x2];
	[bflag:$0x3] =	sbarrier.arrive $0xFFFF;
	s2 =	simm.s32 @!p0 $0x1C06  }
0x155: {  	[timem:s3], [sflag:s2] =	dma.local @!p0 [hbm:s0], s1  }
0x156: {  	s0 =	simm.s32 @!p0 $0x6  }
0x157: {  	_ =	swait.ge @!p0 [sflag:s0], s1  }
0x158: {  	s1 =	ssub.s32 @!p0 $0x0, s1;
	[sflag:s0] =	ssyncset.done @!p0 $0x0  }
0x159: {  	[sflag:s0] =	ssyncadd.s32 @!p0 s1  }
0x15a: {  	[bflag:$0x3] =	sbarrier.arrive $0xFFFF  }
0x15b: {  	_ =	shalt  }

</sc_bundles>
